<compile_context>
chip_gen: v7x
topology: tpu7x:2x2x1
jax: 0.10.2.dev20260603
libtpu: 0.0.44.dev20260713+nightly
codegen_flags: <defaults>
</compile_context>

<pallas_src>
import functools

import jax
import jax.numpy as jnp
from jax import lax
from jax.experimental import pallas as pl
from jax.experimental.pallas import tpu as pltpu
from jax.experimental.pallas import tpu_sc as plsc

_OHEM_RATIO = 0.7
_IGNORE_INDEX = -100
_EPS = 1e-07

_NBINS = 32768
_NW = 32


def _loss_body(pred_ref, tgt_ref, loss_ref, *, hb):
    C = pred_ref.shape[1]
    W = pred_ref.shape[3]
    p = pred_ref[0]
    t = tgt_ref[0]
    tcl = jnp.clip(t, 0, C - 1)
    cls = lax.broadcasted_iota(jnp.int32, (C, hb, W), 0)
    e = jnp.exp(p)
    g = jnp.where(cls == tcl[None], p, 0.0)

    def _tree(planes):
        while len(planes) > 1:
            nxt = [planes[a] + planes[a + 1]
                   for a in range(0, len(planes) - 1, 2)]
            if len(planes) % 2:
                nxt.append(planes[-1])
            planes = nxt
        return planes[0]

    s = _tree([e[i] for i in range(C)])
    pt = _tree([g[i] for i in range(C)])
    nll = jnp.maximum(jnp.log(s) - pt, 0.0)
    nll = jnp.where(t == _IGNORE_INDEX, 0.0, nll)
    loss_ref[...] = lax.bitcast_convert_type(nll, jnp.int32)


def _sc_hist(n):
    chunk = n // _NW
    mesh = plsc.VectorSubcoreMesh(core_axis_name="c", subcore_axis_name="s")

    @functools.partial(
        pl.kernel, mesh=mesh,
        out_type=jax.ShapeDtypeStruct((_NW, _NBINS), jnp.int32),
        compiler_params=pltpu.CompilerParams(needs_layout_passes=False),
        scratch_types=[
            pltpu.VMEM((chunk,), jnp.int32),
            pltpu.VMEM((_NBINS,), jnp.int32),
        ],
    )
    def run(loss_hbm, out_hbm, chunk_v, hist_v):
        wid = lax.axis_index("s") * 2 + lax.axis_index("c")
        base = wid * chunk
        zero16 = jnp.zeros((16,), jnp.int32)

        def z(i, c):
            hist_v[pl.ds(i * 16, 16)] = zero16
            return c
        lax.fori_loop(0, _NBINS // 16, z, 0)
        pltpu.sync_copy(loss_hbm.at[pl.ds(base, chunk)], chunk_v)
        one16 = jnp.ones((16,), jnp.int32)

        def body(i, c):
            kx = chunk_v[pl.ds(i * 16, 16)]
            idx = lax.shift_right_logical(kx, 16)
            plsc.addupdate_scatter(hist_v, [idx], one16)
            return c
        lax.fori_loop(0, chunk // 16, body, 0)
        pltpu.sync_copy(hist_v, out_hbm.at[wid])

    return run


def _select_body(loss_ref, hist_ref, out_ref, mlo_ref, *, k):
    n_rows, W = loss_ref.shape
    hr, hl = hist_ref.shape[1], hist_ref.shape[2]

    def merge(i, acc):
        return acc + hist_ref[i]
    hsum = lax.fori_loop(0, _NW, merge,
                         jnp.zeros((hr, hl), jnp.int32))
    bin_iota = (lax.broadcasted_iota(jnp.int32, (hr, hl), 0) * hl
                + lax.broadcasted_iota(jnp.int32, (hr, hl), 1))

    def count_hi(thr):
        return jnp.sum(jnp.where(bin_iota >= thr, hsum, 0))

    def bs_hi(i, state):
        lo, hi, c_lo, c_hi = state
        mid = lo + (hi - lo) // 2
        c = count_hi(mid)
        ge = c >= k
        return (jnp.where(ge, mid, lo), jnp.where(ge, hi, mid),
                jnp.where(ge, c, c_lo), jnp.where(ge, c_hi, c))

    p_star, _, c_lo, c_gt = lax.fori_loop(
        0, 15, bs_hi,
        (jnp.int32(0), jnp.int32(_NBINS), jnp.int32(n_rows * W),
         jnp.int32(0)))
    k2 = k - c_gt

    def prep(i, carry):
        for u in range(4):
            base = (i * 4 + u) * 32
            kx = loss_ref[pl.ds(base, 32), :]
            inb = (kx >> 16) == p_star
            m = jnp.where(inb, kx & 0xFFFF, 0) - 32768
            mlo_ref[pl.ds(base, 32), :] = m.astype(jnp.int16)
        return carry
    lax.fori_loop(0, n_rows // 128, prep, jnp.int32(0))

    def count_lo(q):
        q16 = (q - 32768).astype(jnp.int16)

        def body(i, acc):
            for u in range(4):
                x = mlo_ref[pl.ds((i * 4 + u) * 64, 64), :]
                acc = acc + (x >= q16).astype(jnp.int16)
            return acc
        acc = lax.fori_loop(0, n_rows // 256, body,
                            jnp.zeros((64, W), jnp.int16))
        return jnp.sum(acc.astype(jnp.int32))

    def bs_lo(i, state):
        lo, hi = state
        mid = lo + (hi - lo) // 2
        ge = count_lo(mid) >= k2
        return (jnp.where(ge, mid, lo), jnp.where(ge, hi, mid))

    q_star, _ = lax.fori_loop(0, 16, bs_lo, (jnp.int32(0), jnp.int32(65536)))
    thresh = (p_star << 16) | q_star

    def final(i, st):
        sa, ca = st
        for u in range(4):
            base = (i * 4 + u) * 32
            kx = loss_ref[pl.ds(base, 32), :]
            x = lax.bitcast_convert_type(kx, jnp.float32)
            msk = kx >= thresh
            sa = sa + jnp.where(msk, x, 0.0)
            ca = ca + msk.astype(jnp.int32)
        return sa, ca
    sa, ca = lax.fori_loop(
        0, n_rows // 128, final,
        (jnp.zeros((32, W), jnp.float32), jnp.zeros((32, W), jnp.int32)))
    total = jnp.sum(sa)
    cnt = jnp.sum(ca).astype(jnp.float32)
    out_ref[0, 0] = total / (cnt + _EPS)


def kernel(pred, target):
    B, C, H, W = pred.shape
    hb = 128 if H % 128 == 0 else 8
    nb = B * (H // hb)
    n_rows = B * H
    n = n_rows * W
    k = int(n * _OHEM_RATIO)
    target = target.astype(jnp.int32)
    hpb = H // hb

    loss = pl.pallas_call(
        functools.partial(_loss_body, hb=hb),
        grid=(nb,),
        in_specs=[
            pl.BlockSpec((1, C, hb, W), lambda i: (i // hpb, 0, i % hpb, 0)),
            pl.BlockSpec((1, hb, W), lambda i: (i // hpb, i % hpb, 0)),
        ],
        out_specs=pl.BlockSpec((hb, W), lambda i: (i, 0)),
        out_shape=jax.ShapeDtypeStruct((n_rows, W), jnp.int32),
    )(pred, target)

    hists = _sc_hist(n)(loss.reshape(n))
    hists = hists.reshape(_NW, _NBINS // 128, 128)

    out = pl.pallas_call(
        functools.partial(_select_body, k=k),
        grid=(1,),
        in_specs=[
            pl.BlockSpec((n_rows, W), lambda i: (0, 0)),
            pl.BlockSpec((_NW, _NBINS // 128, 128), lambda i: (0, 0, 0)),
        ],
        out_specs=pl.BlockSpec(memory_space=pltpu.SMEM),
        out_shape=jax.ShapeDtypeStruct((1, 1), jnp.float32),
        scratch_shapes=[pltpu.VMEM((n_rows, W), jnp.int16)],
    )(loss, hists)
    return out[0, 0]

# --- scband reference (transcript-rebuilt; emitter-appended) ---
"""Pipeline reference for scband-cross-entropy-loss-with-ohem-34505767256310 (READ-ONLY COPY).

The authoritative reference and input builder live on the scoring server;
editing this copy changes nothing except your own understanding.
"""

import jax, jax.numpy as jnp
import numpy as np

OHEM_RATIO = 0.7
IGNORE_INDEX = -100
EPS = 1e-07


def setup_inputs(seed: int = 0) -> dict:
    key = jax.random.key(seed)
    k1, k2 = jax.random.split(key)
    pred = jax.random.normal(k1, (4, 21, 512, 512), dtype=jnp.float32)
    target = jax.random.randint(k2, (4, 512, 512), 0, 21)
    return {"pred": pred, "target": target}


def _per_pixel_ce(pred, target):
    # pred: [B, C, H, W], target: [B, H, W]
    logp = jax.nn.log_softmax(pred, axis=1)
    tgt = jnp.clip(target, 0, pred.shape[1] - 1)
    nll = -jnp.take_along_axis(logp, tgt[:, None, :, :], axis=1)[:, 0]
    valid = (target != IGNORE_INDEX)
    return jnp.where(valid, nll, jnp.zeros_like(nll))


def reference(pred, target):
    loss = _per_pixel_ce(pred, target)
    flat = loss.reshape(-1)
    k = int(flat.size * OHEM_RATIO)
    values, _ = jax.lax.top_k(flat, k)
    thresh = values[-1]
    mask = jax.lax.stop_gradient((loss >= thresh).astype(jnp.float32))
    loss = loss * mask
    return loss.sum() / (mask.sum() + EPS)

if __name__ == "__main__":
    import jax
    _d = setup_inputs()
    print(jax.jit(kernel)(*tuple(_d.values())))

</pallas_src>

<mosaic_0001>
#map = affine_map<(d0, d1) -> (0)>
#map1 = affine_map<(d0, d1) -> (0, 0)>
module attributes {stable_mosaic.version = 14 : i64} {
  func.func @run(%arg0: i32, %arg1: i32, %arg2: memref<1048576xi32, #tpu.memory_space<hbm>>, %arg3: memref<32x32768xi32, #tpu.memory_space<hbm>>, %arg4: memref<32768xi32, #tpu.memory_space<vmem>>, %arg5: memref<32768xi32, #tpu.memory_space<vmem>>) attributes {dimension_semantics = [#tpu.dimension_semantics<core_parallel>, #tpu.dimension_semantics<subcore_parallel>], iteration_bounds = array<i64: 2, 16>, scalar_prefetch = 0 : i64, scratch_operands = 2 : i64, tpu.core_type = #tpu.core_type<sc_vector_subcore>, window_params = [{transform_indices = #map}, {transform_indices = #map1}]} {
    %mul3A = arith.constant 2 : i32
    %mul3A_0 = arith.muli %arg1, %mul3A : i32
    %add3A = arith.addi %mul3A_0, %arg0 : i32
    %mul3A_1 = arith.constant 32768 : i32
    %mul3A_2 = arith.muli %add3A, %mul3A_1 : i32
    %broadcast_in_dim3A = arith.constant 0 : i32
    %broadcast_in_dim3A_3 = vector.broadcast %broadcast_in_dim3A : i32 to vector<16xi32>
    %scan3A = arith.constant 0 : i32
    %scan3A_4 = arith.constant 0 : i32
    %scan3A_5 = arith.constant 2048 : i32
    %scan3A_6 = arith.addi %scan3A_4, %scan3A_5 : i32
    %scan3A_7 = arith.constant 1 : i32
    scf.for %scan3A_17 = %scan3A_4 to %scan3A_6 step %scan3A_7  : i32 {
      %mul3A_18 = arith.constant 16 : i32
      %mul3A_19 = arith.muli %scan3A_17, %mul3A_18 : i32
      %swap3A = arith.index_cast %mul3A_19 : i32 to index
      %swap3A_20 = tpu.vector_load %arg5[%swap3A] {strides = array<i32>} : memref<32768xi32, #tpu.memory_space<vmem>>, vector<16xi32>,
      tpu.vector_store %arg5[%swap3A], %broadcast_in_dim3A_3 {strides = array<i32>} : memref<32768xi32, #tpu.memory_space<vmem>>, vector<16xi32>,
    }
    %scan3A_8 = arith.constant 2048 : i32
    "tpu.region"() ({
      %run_scoped3A = tpu.sem_alloc : memref<!tpu.dma_semaphore, #tpu.memory_space<semaphore_mem>>
      %dma_start3A = tpu.memref_slice %arg2[%mul3A_2] : memref<1048576xi32, #tpu.memory_space<hbm>> -> memref<32768xi32, #tpu.memory_space<hbm>>
      %dma_start3A_17 = tpu.memref_slice %arg2[%mul3A_2] : memref<1048576xi32, #tpu.memory_space<hbm>> -> memref<32768xi32, #tpu.memory_space<hbm>>
      tpu.enqueue_dma source(%dma_start3A_17 : memref<32768xi32, #tpu.memory_space<hbm>>) target(%arg4 : memref<32768xi32, #tpu.memory_space<vmem>>) target_semaphore(%run_scoped3A : memref<!tpu.dma_semaphore, #tpu.memory_space<semaphore_mem>>)
      %dma_wait3A = tpu.memref_slice %arg2[%mul3A_2] : memref<1048576xi32, #tpu.memory_space<hbm>> -> memref<32768xi32, #tpu.memory_space<hbm>>
      %dma_wait3A_18 = tpu.memref_slice %arg2[%mul3A_2] : memref<1048576xi32, #tpu.memory_space<hbm>> -> memref<32768xi32, #tpu.memory_space<hbm>>
      tpu.wait_dma2 semaphore(%run_scoped3A : memref<!tpu.dma_semaphore, #tpu.memory_space<semaphore_mem>>) src(%dma_wait3A_18 : memref<32768xi32, #tpu.memory_space<hbm>>) dst(%arg4 : memref<32768xi32, #tpu.memory_space<vmem>>)
      tpu.yield
    }) : () -> ()
    %broadcast_in_dim3A_9 = arith.constant 1 : i32
    %broadcast_in_dim3A_10 = vector.broadcast %broadcast_in_dim3A_9 : i32 to vector<16xi32>
    %scan3A_11 = arith.constant 0 : i32
    %scan3A_12 = arith.constant 0 : i32
    %scan3A_13 = arith.constant 2048 : i32
    %scan3A_14 = arith.addi %scan3A_12, %scan3A_13 : i32
    %scan3A_15 = arith.constant 1 : i32
    scf.for %scan3A_17 = %scan3A_12 to %scan3A_14 step %scan3A_15  : i32 {
      %mul3A_18 = arith.constant 16 : i32
      %mul3A_19 = arith.muli %scan3A_17, %mul3A_18 : i32
      %get3A = arith.index_cast %mul3A_19 : i32 to index
      %get3A_20 = tpu.vector_load %arg4[%get3A] {strides = array<i32>} : memref<32768xi32, #tpu.memory_space<vmem>>, vector<16xi32>,
      %shift_right_logical3A = arith.constant 16 : i32
      %shift_right_logical3A_21 = vector.broadcast %shift_right_logical3A : i32 to vector<16xi32>
      %shift_right_logical3A_22 = arith.shrui %get3A_20, %shift_right_logical3A_21 : vector<16xi32>
      tpu.vector_store_idx %arg5[%shift_right_logical3A_22], %broadcast_in_dim3A_10 {add = true} : memref<32768xi32, #tpu.memory_space<vmem>>[vector<16xi32>], vector<16xi32>,
    }
    %scan3A_16 = arith.constant 2048 : i32
    "tpu.region"() ({
      %run_scoped3A = tpu.sem_alloc : memref<!tpu.dma_semaphore, #tpu.memory_space<semaphore_mem>>
      %dma_start3A = arith.constant 0 : i32
      %dma_start3A_17 = tpu.memref_slice %arg3[%add3A, %dma_start3A] : memref<32x32768xi32, #tpu.memory_space<hbm>> -> memref<1x32768xi32, #tpu.memory_space<hbm>>
      %dma_start3A_18 = tpu.memref_squeeze %dma_start3A_17 : memref<1x32768xi32, #tpu.memory_space<hbm>> -> memref<32768xi32, #tpu.memory_space<hbm>>
      %dma_start3A_19 = arith.constant 0 : i32
      %dma_start3A_20 = tpu.memref_slice %arg3[%add3A, %dma_start3A_19] : memref<32x32768xi32, #tpu.memory_space<hbm>> -> memref<1x32768xi32, #tpu.memory_space<hbm>>
      %dma_start3A_21 = tpu.memref_squeeze %dma_start3A_20 : memref<1x32768xi32, #tpu.memory_space<hbm>> -> memref<32768xi32, #tpu.memory_space<hbm>>
      tpu.enqueue_dma source(%arg5 : memref<32768xi32, #tpu.memory_space<vmem>>) target(%dma_start3A_21 : memref<32768xi32, #tpu.memory_space<hbm>>) target_semaphore(%run_scoped3A : memref<!tpu.dma_semaphore, #tpu.memory_space<semaphore_mem>>)
      %dma_wait3A = arith.constant 0 : i32
      %dma_wait3A_22 = tpu.memref_slice %arg3[%add3A, %dma_wait3A] : memref<32x32768xi32, #tpu.memory_space<hbm>> -> memref<1x32768xi32, #tpu.memory_space<hbm>>
      %dma_wait3A_23 = tpu.memref_squeeze %dma_wait3A_22 : memref<1x32768xi32, #tpu.memory_space<hbm>> -> memref<32768xi32, #tpu.memory_space<hbm>>
      %dma_wait3A_24 = arith.constant 0 : i32
      %dma_wait3A_25 = tpu.memref_slice %arg3[%add3A, %dma_wait3A_24] : memref<32x32768xi32, #tpu.memory_space<hbm>> -> memref<1x32768xi32, #tpu.memory_space<hbm>>
      %dma_wait3A_26 = tpu.memref_squeeze %dma_wait3A_25 : memref<1x32768xi32, #tpu.memory_space<hbm>> -> memref<32768xi32, #tpu.memory_space<hbm>>
      tpu.wait_dma2 semaphore(%run_scoped3A : memref<!tpu.dma_semaphore, #tpu.memory_space<semaphore_mem>>) src(%arg5 : memref<32768xi32, #tpu.memory_space<vmem>>) dst(%dma_wait3A_26 : memref<32768xi32, #tpu.memory_space<hbm>>)
      tpu.yield
    }) : () -> ()
    return
  }
}

module attributes {stable_mosaic.version = 14 : i64} {
  func.func @_loss_body(%arg0: i32, %arg1: memref<1x21x128x512xf32, #tpu.memory_space<vmem>>, %arg2: memref<1x128x512xi32, #tpu.memory_space<vmem>>, %arg3: memref<128x512xi32, #tpu.memory_space<vmem>>) attributes {dimension_semantics = [#tpu.dimension_semantics<arbitrary>], iteration_bounds = array<i64: 16>, scalar_prefetch = 0 : i64, scratch_operands = 0 : i64, tpu.core_type = #tpu.core_type<tc>, window_params = [{transform_indices = @transform_0, window_bounds = array<i64: 1, 21, 128, 512>}, {transform_indices = @transform_1, window_bounds = array<i64: 1, 128, 512>}, {transform_indices = @transform_2, window_bounds = array<i64: 128, 512>}]} {
    %get3A = arith.constant 0 : index
    %get3A_0 = arith.constant 0 : index
    %get3A_1 = arith.constant 0 : index
    %get3A_2 = arith.constant 0 : index
    %get3A_3 = vector.load %arg1[%get3A, %get3A_0, %get3A_1, %get3A_2] : memref<1x21x128x512xf32, #tpu.memory_space<vmem>>, vector<1x21x128x512xf32>
    %get3A_4 = vector.shape_cast %get3A_3 : vector<1x21x128x512xf32> to vector<21x128x512xf32>
    %get3A_5 = arith.constant 0 : index
    %get3A_6 = arith.constant 0 : index
    %get3A_7 = arith.constant 0 : index
    %get3A_8 = vector.load %arg2[%get3A_5, %get3A_6, %get3A_7] : memref<1x128x512xi32, #tpu.memory_space<vmem>>, vector<1x128x512xi32>
    %get3A_9 = vector.shape_cast %get3A_8 : vector<1x128x512xi32> to vector<128x512xi32>
    %jit3A = arith.constant 0 : i32
    %jit3A_10 = arith.constant 20 : i32
    %max3A = vector.broadcast %jit3A : i32 to vector<128x512xi32>
    %max3A_11 = arith.maxsi %max3A, %get3A_9 : vector<128x512xi32>
    %min3A = vector.broadcast %jit3A_10 : i32 to vector<128x512xi32>
    %min3A_12 = arith.minsi %min3A, %max3A_11 : vector<128x512xi32>
    %iota3A = tpu.iota {dimensions = array<i32: 0>} : vector<21x128x512xi32>
    %exp3A = math.exp %get3A_4 : vector<21x128x512xf32>
    %broadcast_in_dim3A = vector.shape_cast %min3A_12 : vector<128x512xi32> to vector<1x128x512xi32>
    %eq3A = vector.broadcast %broadcast_in_dim3A : vector<1x128x512xi32> to vector<21x128x512xi32>
    %eq3A_13 = arith.cmpi eq, %iota3A, %eq3A : vector<21x128x512xi32>
    %jit3A_14 = arith.constant 0.000000e+00 : f32
    %broadcast_in_dim3A_15 = vector.broadcast %jit3A_14 : f32 to vector<21x128x512xf32>
    %select_n3A = arith.select %eq3A_13, %get3A_4, %broadcast_in_dim3A_15 : vector<21x128x512xi1>, vector<21x128x512xf32>
    %slice3A = vector.extract_strided_slice %exp3A {offsets = [0, 0, 0], sizes = [1, 128, 512], strides = [1, 1, 1]} : vector<21x128x512xf32> to vector<1x128x512xf32>
    %squeeze3A = vector.shape_cast %slice3A : vector<1x128x512xf32> to vector<128x512xf32>
    %slice3A_16 = vector.extract_strided_slice %exp3A {offsets = [1, 0, 0], sizes = [1, 128, 512], strides = [1, 1, 1]} : vector<21x128x512xf32> to vector<1x128x512xf32>
    %squeeze3A_17 = vector.shape_cast %slice3A_16 : vector<1x128x512xf32> to vector<128x512xf32>
    %slice3A_18 = vector.extract_strided_slice %exp3A {offsets = [2, 0, 0], sizes = [1, 128, 512], strides = [1, 1, 1]} : vector<21x128x512xf32> to vector<1x128x512xf32>
    %squeeze3A_19 = vector.shape_cast %slice3A_18 : vector<1x128x512xf32> to vector<128x512xf32>
    %slice3A_20 = vector.extract_strided_slice %exp3A {offsets = [3, 0, 0], sizes = [1, 128, 512], strides = [1, 1, 1]} : vector<21x128x512xf32> to vector<1x128x512xf32>
    %squeeze3A_21 = vector.shape_cast %slice3A_20 : vector<1x128x512xf32> to vector<128x512xf32>
    %slice3A_22 = vector.extract_strided_slice %exp3A {offsets = [4, 0, 0], sizes = [1, 128, 512], strides = [1, 1, 1]} : vector<21x128x512xf32> to vector<1x128x512xf32>
    %squeeze3A_23 = vector.shape_cast %slice3A_22 : vector<1x128x512xf32> to vector<128x512xf32>
    %slice3A_24 = vector.extract_strided_slice %exp3A {offsets = [5, 0, 0], sizes = [1, 128, 512], strides = [1, 1, 1]} : vector<21x128x512xf32> to vector<1x128x512xf32>
    %squeeze3A_25 = vector.shape_cast %slice3A_24 : vector<1x128x512xf32> to vector<128x512xf32>
    %slice3A_26 = vector.extract_strided_slice %exp3A {offsets = [6, 0, 0], sizes = [1, 128, 512], strides = [1, 1, 1]} : vector<21x128x512xf32> to vector<1x128x512xf32>
    %squeeze3A_27 = vector.shape_cast %slice3A_26 : vector<1x128x512xf32> to vector<128x512xf32>
    %slice3A_28 = vector.extract_strided_slice %exp3A {offsets = [7, 0, 0], sizes = [1, 128, 512], strides = [1, 1, 1]} : vector<21x128x512xf32> to vector<1x128x512xf32>
    %squeeze3A_29 = vector.shape_cast %slice3A_28 : vector<1x128x512xf32> to vector<128x512xf32>
    %slice3A_30 = vector.extract_strided_slice %exp3A {offsets = [8, 0, 0], sizes = [1, 128, 512], strides = [1, 1, 1]} : vector<21x128x512xf32> to vector<1x128x512xf32>
    %squeeze3A_31 = vector.shape_cast %slice3A_30 : vector<1x128x512xf32> to vector<128x512xf32>
    %slice3A_32 = vector.extract_strided_slice %exp3A {offsets = [9, 0, 0], sizes = [1, 128, 512], strides = [1, 1, 1]} : vector<21x128x512xf32> to vector<1x128x512xf32>
    %squeeze3A_33 = vector.shape_cast %slice3A_32 : vector<1x128x512xf32> to vector<128x512xf32>
    %slice3A_34 = vector.extract_strided_slice %exp3A {offsets = [10, 0, 0], sizes = [1, 128, 512], strides = [1, 1, 1]} : vector<21x128x512xf32> to vector<1x128x512xf32>
    %squeeze3A_35 = vector.shape_cast %slice3A_34 : vector<1x128x512xf32> to vector<128x512xf32>
    %slice3A_36 = vector.extract_strided_slice %exp3A {offsets = [11, 0, 0], sizes = [1, 128, 512], strides = [1, 1, 1]} : vector<21x128x512xf32> to vector<1x128x512xf32>
    %squeeze3A_37 = vector.shape_cast %slice3A_36 : vector<1x128x512xf32> to vector<128x512xf32>
    %slice3A_38 = vector.extract_strided_slice %exp3A {offsets = [12, 0, 0], sizes = [1, 128, 512], strides = [1, 1, 1]} : vector<21x128x512xf32> to vector<1x128x512xf32>
    %squeeze3A_39 = vector.shape_cast %slice3A_38 : vector<1x128x512xf32> to vector<128x512xf32>
    %slice3A_40 = vector.extract_strided_slice %exp3A {offsets = [13, 0, 0], sizes = [1, 128, 512], strides = [1, 1, 1]} : vector<21x128x512xf32> to vector<1x128x512xf32>
    %squeeze3A_41 = vector.shape_cast %slice3A_40 : vector<1x128x512xf32> to vector<128x512xf32>
    %slice3A_42 = vector.extract_strided_slice %exp3A {offsets = [14, 0, 0], sizes = [1, 128, 512], strides = [1, 1, 1]} : vector<21x128x512xf32> to vector<1x128x512xf32>
    %squeeze3A_43 = vector.shape_cast %slice3A_42 : vector<1x128x512xf32> to vector<128x512xf32>
    %slice3A_44 = vector.extract_strided_slice %exp3A {offsets = [15, 0, 0], sizes = [1, 128, 512], strides = [1, 1, 1]} : vector<21x128x512xf32> to vector<1x128x512xf32>
    %squeeze3A_45 = vector.shape_cast %slice3A_44 : vector<1x128x512xf32> to vector<128x512xf32>
    %slice3A_46 = vector.extract_strided_slice %exp3A {offsets = [16, 0, 0], sizes = [1, 128, 512], strides = [1, 1, 1]} : vector<21x128x512xf32> to vector<1x128x512xf32>
    %squeeze3A_47 = vector.shape_cast %slice3A_46 : vector<1x128x512xf32> to vector<128x512xf32>
    %slice3A_48 = vector.extract_strided_slice %exp3A {offsets = [17, 0, 0], sizes = [1, 128, 512], strides = [1, 1, 1]} : vector<21x128x512xf32> to vector<1x128x512xf32>
    %squeeze3A_49 = vector.shape_cast %slice3A_48 : vector<1x128x512xf32> to vector<128x512xf32>
    %slice3A_50 = vector.extract_strided_slice %exp3A {offsets = [18, 0, 0], sizes = [1, 128, 512], strides = [1, 1, 1]} : vector<21x128x512xf32> to vector<1x128x512xf32>
    %squeeze3A_51 = vector.shape_cast %slice3A_50 : vector<1x128x512xf32> to vector<128x512xf32>
    %slice3A_52 = vector.extract_strided_slice %exp3A {offsets = [19, 0, 0], sizes = [1, 128, 512], strides = [1, 1, 1]} : vector<21x128x512xf32> to vector<1x128x512xf32>
    %squeeze3A_53 = vector.shape_cast %slice3A_52 : vector<1x128x512xf32> to vector<128x512xf32>
    %slice3A_54 = vector.extract_strided_slice %exp3A {offsets = [20, 0, 0], sizes = [1, 128, 512], strides = [1, 1, 1]} : vector<21x128x512xf32> to vector<1x128x512xf32>
    %squeeze3A_55 = vector.shape_cast %slice3A_54 : vector<1x128x512xf32> to vector<128x512xf32>
    %add3A = arith.addf %squeeze3A, %squeeze3A_17 : vector<128x512xf32>
    %add3A_56 = arith.addf %squeeze3A_19, %squeeze3A_21 : vector<128x512xf32>
    %add3A_57 = arith.addf %squeeze3A_23, %squeeze3A_25 : vector<128x512xf32>
    %add3A_58 = arith.addf %squeeze3A_27, %squeeze3A_29 : vector<128x512xf32>
    %add3A_59 = arith.addf %squeeze3A_31, %squeeze3A_33 : vector<128x512xf32>
    %add3A_60 = arith.addf %squeeze3A_35, %squeeze3A_37 : vector<128x512xf32>
    %add3A_61 = arith.addf %squeeze3A_39, %squeeze3A_41 : vector<128x512xf32>
    %add3A_62 = arith.addf %squeeze3A_43, %squeeze3A_45 : vector<128x512xf32>
    %add3A_63 = arith.addf %squeeze3A_47, %squeeze3A_49 : vector<128x512xf32>
    %add3A_64 = arith.addf %squeeze3A_51, %squeeze3A_53 : vector<128x512xf32>
    %add3A_65 = arith.addf %add3A, %add3A_56 : vector<128x512xf32>
    %add3A_66 = arith.addf %add3A_57, %add3A_58 : vector<128x512xf32>
    %add3A_67 = arith.addf %add3A_59, %add3A_60 : vector<128x512xf32>
    %add3A_68 = arith.addf %add3A_61, %add3A_62 : vector<128x512xf32>
    %add3A_69 = arith.addf %add3A_63, %add3A_64 : vector<128x512xf32>
    %add3A_70 = arith.addf %add3A_65, %add3A_66 : vector<128x512xf32>
    %add3A_71 = arith.addf %add3A_67, %add3A_68 : vector<128x512xf32>
    %add3A_72 = arith.addf %add3A_69, %squeeze3A_55 : vector<128x512xf32>
    %add3A_73 = arith.addf %add3A_70, %add3A_71 : vector<128x512xf32>
    %add3A_74 = arith.addf %add3A_73, %add3A_72 : vector<128x512xf32>
    %slice3A_75 = vector.extract_strided_slice %select_n3A {offsets = [0, 0, 0], sizes = [1, 128, 512], strides = [1, 1, 1]} : vector<21x128x512xf32> to vector<1x128x512xf32>
    %squeeze3A_76 = vector.shape_cast %slice3A_75 : vector<1x128x512xf32> to vector<128x512xf32>
    %slice3A_77 = vector.extract_strided_slice %select_n3A {offsets = [1, 0, 0], sizes = [1, 128, 512], strides = [1, 1, 1]} : vector<21x128x512xf32> to vector<1x128x512xf32>
    %squeeze3A_78 = vector.shape_cast %slice3A_77 : vector<1x128x512xf32> to vector<128x512xf32>
    %slice3A_79 = vector.extract_strided_slice %select_n3A {offsets = [2, 0, 0], sizes = [1, 128, 512], strides = [1, 1, 1]} : vector<21x128x512xf32> to vector<1x128x512xf32>
    %squeeze3A_80 = vector.shape_cast %slice3A_79 : vector<1x128x512xf32> to vector<128x512xf32>
    %slice3A_81 = vector.extract_strided_slice %select_n3A {offsets = [3, 0, 0], sizes = [1, 128, 512], strides = [1, 1, 1]} : vector<21x128x512xf32> to vector<1x128x512xf32>
    %squeeze3A_82 = vector.shape_cast %slice3A_81 : vector<1x128x512xf32> to vector<128x512xf32>
    %slice3A_83 = vector.extract_strided_slice %select_n3A {offsets = [4, 0, 0], sizes = [1, 128, 512], strides = [1, 1, 1]} : vector<21x128x512xf32> to vector<1x128x512xf32>
    %squeeze3A_84 = vector.shape_cast %slice3A_83 : vector<1x128x512xf32> to vector<128x512xf32>
    %slice3A_85 = vector.extract_strided_slice %select_n3A {offsets = [5, 0, 0], sizes = [1, 128, 512], strides = [1, 1, 1]} : vector<21x128x512xf32> to vector<1x128x512xf32>
    %squeeze3A_86 = vector.shape_cast %slice3A_85 : vector<1x128x512xf32> to vector<128x512xf32>
    %slice3A_87 = vector.extract_strided_slice %select_n3A {offsets = [6, 0, 0], sizes = [1, 128, 512], strides = [1, 1, 1]} : vector<21x128x512xf32> to vector<1x128x512xf32>
    %squeeze3A_88 = vector.shape_cast %slice3A_87 : vector<1x128x512xf32> to vector<128x512xf32>
    %slice3A_89 = vector.extract_strided_slice %select_n3A {offsets = [7, 0, 0], sizes = [1, 128, 512], strides = [1, 1, 1]} : vector<21x128x512xf32> to vector<1x128x512xf32>
    %squeeze3A_90 = vector.shape_cast %slice3A_89 : vector<1x128x512xf32> to vector<128x512xf32>
    %slice3A_91 = vector.extract_strided_slice %select_n3A {offsets = [8, 0, 0], sizes = [1, 128, 512], strides = [1, 1, 1]} : vector<21x128x512xf32> to vector<1x128x512xf32>
    %squeeze3A_92 = vector.shape_cast %slice3A_91 : vector<1x128x512xf32> to vector<128x512xf32>
    %slice3A_93 = vector.extract_strided_slice %select_n3A {offsets = [9, 0, 0], sizes = [1, 128, 512], strides = [1, 1, 1]} : vector<21x128x512xf32> to vector<1x128x512xf32>
    %squeeze3A_94 = vector.shape_cast %slice3A_93 : vector<1x128x512xf32> to vector<128x512xf32>
    %slice3A_95 = vector.extract_strided_slice %select_n3A {offsets = [10, 0, 0], sizes = [1, 128, 512], strides = [1, 1, 1]} : vector<21x128x512xf32> to vector<1x128x512xf32>
    %squeeze3A_96 = vector.shape_cast %slice3A_95 : vector<1x128x512xf32> to vector<128x512xf32>
    %slice3A_97 = vector.extract_strided_slice %select_n3A {offsets = [11, 0, 0], sizes = [1, 128, 512], strides = [1, 1, 1]} : vector<21x128x512xf32> to vector<1x128x512xf32>
    %squeeze3A_98 = vector.shape_cast %slice3A_97 : vector<1x128x512xf32> to vector<128x512xf32>
    %slice3A_99 = vector.extract_strided_slice %select_n3A {offsets = [12, 0, 0], sizes = [1, 128, 512], strides = [1, 1, 1]} : vector<21x128x512xf32> to vector<1x128x512xf32>
    %squeeze3A_100 = vector.shape_cast %slice3A_99 : vector<1x128x512xf32> to vector<128x512xf32>
    %slice3A_101 = vector.extract_strided_slice %select_n3A {offsets = [13, 0, 0], sizes = [1, 128, 512], strides = [1, 1, 1]} : vector<21x128x512xf32> to vector<1x128x512xf32>
    %squeeze3A_102 = vector.shape_cast %slice3A_101 : vector<1x128x512xf32> to vector<128x512xf32>
    %slice3A_103 = vector.extract_strided_slice %select_n3A {offsets = [14, 0, 0], sizes = [1, 128, 512], strides = [1, 1, 1]} : vector<21x128x512xf32> to vector<1x128x512xf32>
    %squeeze3A_104 = vector.shape_cast %slice3A_103 : vector<1x128x512xf32> to vector<128x512xf32>
    %slice3A_105 = vector.extract_strided_slice %select_n3A {offsets = [15, 0, 0], sizes = [1, 128, 512], strides = [1, 1, 1]} : vector<21x128x512xf32> to vector<1x128x512xf32>
    %squeeze3A_106 = vector.shape_cast %slice3A_105 : vector<1x128x512xf32> to vector<128x512xf32>
    %slice3A_107 = vector.extract_strided_slice %select_n3A {offsets = [16, 0, 0], sizes = [1, 128, 512], strides = [1, 1, 1]} : vector<21x128x512xf32> to vector<1x128x512xf32>
    %squeeze3A_108 = vector.shape_cast %slice3A_107 : vector<1x128x512xf32> to vector<128x512xf32>
    %slice3A_109 = vector.extract_strided_slice %select_n3A {offsets = [17, 0, 0], sizes = [1, 128, 512], strides = [1, 1, 1]} : vector<21x128x512xf32> to vector<1x128x512xf32>
    %squeeze3A_110 = vector.shape_cast %slice3A_109 : vector<1x128x512xf32> to vector<128x512xf32>
    %slice3A_111 = vector.extract_strided_slice %select_n3A {offsets = [18, 0, 0], sizes = [1, 128, 512], strides = [1, 1, 1]} : vector<21x128x512xf32> to vector<1x128x512xf32>
    %squeeze3A_112 = vector.shape_cast %slice3A_111 : vector<1x128x512xf32> to vector<128x512xf32>
    %slice3A_113 = vector.extract_strided_slice %select_n3A {offsets = [19, 0, 0], sizes = [1, 128, 512], strides = [1, 1, 1]} : vector<21x128x512xf32> to vector<1x128x512xf32>
    %squeeze3A_114 = vector.shape_cast %slice3A_113 : vector<1x128x512xf32> to vector<128x512xf32>
    %slice3A_115 = vector.extract_strided_slice %select_n3A {offsets = [20, 0, 0], sizes = [1, 128, 512], strides = [1, 1, 1]} : vector<21x128x512xf32> to vector<1x128x512xf32>
    %squeeze3A_116 = vector.shape_cast %slice3A_115 : vector<1x128x512xf32> to vector<128x512xf32>
    %add3A_117 = arith.addf %squeeze3A_76, %squeeze3A_78 : vector<128x512xf32>
    %add3A_118 = arith.addf %squeeze3A_80, %squeeze3A_82 : vector<128x512xf32>
    %add3A_119 = arith.addf %squeeze3A_84, %squeeze3A_86 : vector<128x512xf32>
    %add3A_120 = arith.addf %squeeze3A_88, %squeeze3A_90 : vector<128x512xf32>
    %add3A_121 = arith.addf %squeeze3A_92, %squeeze3A_94 : vector<128x512xf32>
    %add3A_122 = arith.addf %squeeze3A_96, %squeeze3A_98 : vector<128x512xf32>
    %add3A_123 = arith.addf %squeeze3A_100, %squeeze3A_102 : vector<128x512xf32>
    %add3A_124 = arith.addf %squeeze3A_104, %squeeze3A_106 : vector<128x512xf32>
    %add3A_125 = arith.addf %squeeze3A_108, %squeeze3A_110 : vector<128x512xf32>
    %add3A_126 = arith.addf %squeeze3A_112, %squeeze3A_114 : vector<128x512xf32>
    %add3A_127 = arith.addf %add3A_117, %add3A_118 : vector<128x512xf32>
    %add3A_128 = arith.addf %add3A_119, %add3A_120 : vector<128x512xf32>
    %add3A_129 = arith.addf %add3A_121, %add3A_122 : vector<128x512xf32>
    %add3A_130 = arith.addf %add3A_123, %add3A_124 : vector<128x512xf32>
    %add3A_131 = arith.addf %add3A_125, %add3A_126 : vector<128x512xf32>
    %add3A_132 = arith.addf %add3A_127, %add3A_128 : vector<128x512xf32>
    %add3A_133 = arith.addf %add3A_129, %add3A_130 : vector<128x512xf32>
    %add3A_134 = arith.addf %add3A_131, %squeeze3A_116 : vector<128x512xf32>
    %add3A_135 = arith.addf %add3A_132, %add3A_133 : vector<128x512xf32>
    %add3A_136 = arith.addf %add3A_135, %add3A_134 : vector<128x512xf32>
    %log3A = math.log %add3A_74 : vector<128x512xf32>
    %sub3A = arith.subf %log3A, %add3A_136 : vector<128x512xf32>
    %max3A_137 = arith.constant 0.000000e+00 : f32
    %max3A_138 = vector.broadcast %max3A_137 : f32 to vector<128x512xf32>
    %max3A_139 = arith.maximumf %sub3A, %max3A_138 : vector<128x512xf32>
    %eq3A_140 = arith.constant -100 : i32
    %eq3A_141 = vector.broadcast %eq3A_140 : i32 to vector<128x512xi32>
    %eq3A_142 = arith.cmpi eq, %get3A_9, %eq3A_141 : vector<128x512xi32>
    %jit3A_143 = arith.constant 0.000000e+00 : f32
    %broadcast_in_dim3A_144 = vector.broadcast %jit3A_143 : f32 to vector<128x512xf32>
    %select_n3A_145 = arith.select %eq3A_142, %broadcast_in_dim3A_144, %max3A_139 : vector<128x512xi1>, vector<128x512xf32>
    %bitcast_convert_type3A = tpu.bitcast %select_n3A_145 : vector<128x512xf32> -> vector<128x512xi32>
    %swap3A = arith.constant 0 : index
    %swap3A_146 = arith.constant 0 : index
    %swap3A_147 = vector.load %arg3[%swap3A, %swap3A_146] : memref<128x512xi32, #tpu.memory_space<vmem>>, vector<128x512xi32>
    tpu.vector_store %arg3[%swap3A, %swap3A_146], %bitcast_convert_type3A {strides = array<i32>} : memref<128x512xi32, #tpu.memory_space<vmem>>, vector<128x512xi32>,
    return
  }
  func.func @transform_0(%arg0: i32) -> (i32, i32, i32, i32) {
    %jit3A = arith.constant 4 : i32
    %div3A = arith.divsi %arg0, %jit3A : i32
    %sign3A = arith.constant 0 : i32
    %sign3A_0 = arith.cmpi sgt, %arg0, %sign3A : i32
    %sign3A_1 = arith.extui %sign3A_0 : i1 to i32
    %sign3A_2 = arith.constant 0 : i32
    %sign3A_3 = arith.cmpi slt, %arg0, %sign3A_2 : i32
    %sign3A_4 = arith.extui %sign3A_3 : i1 to i32
    %sign3A_5 = arith.subi %sign3A_1, %sign3A_4 : i32
    %sign3A_6 = arith.constant 0 : i32
    %sign3A_7 = arith.cmpi sgt, %jit3A, %sign3A_6 : i32
    %sign3A_8 = arith.extui %sign3A_7 : i1 to i32
    %sign3A_9 = arith.constant 0 : i32
    %sign3A_10 = arith.cmpi slt, %jit3A, %sign3A_9 : i32
    %sign3A_11 = arith.extui %sign3A_10 : i1 to i32
    %sign3A_12 = arith.subi %sign3A_8, %sign3A_11 : i32
    %ne3A = arith.cmpi ne, %sign3A_5, %sign3A_12 : i32
    %rem3A = arith.remsi %arg0, %jit3A : i32
    %ne3A_13 = arith.constant 0 : i32
    %ne3A_14 = arith.cmpi ne, %rem3A, %ne3A_13 : i32
    %and3A = arith.andi %ne3A, %ne3A_14 : i1
    %sub3A = arith.constant 1 : i32
    %sub3A_15 = arith.subi %div3A, %sub3A : i32
    %select_n3A = arith.select %and3A, %sub3A_15, %div3A : i32
    %jit3A_16 = arith.constant 4 : i32
    %eq3A = arith.constant 0 : i32
    %eq3A_17 = arith.cmpi eq, %jit3A_16, %eq3A : i32
    %jit3A_18 = arith.constant 1 : i32
    %select_n3A_19 = arith.select %eq3A_17, %jit3A_18, %jit3A_16 : i32
    %rem3A_20 = arith.remsi %arg0, %select_n3A_19 : i32
    %ne3A_21 = arith.constant 0 : i32
    %ne3A_22 = arith.cmpi ne, %rem3A_20, %ne3A_21 : i32
    %lt3A = arith.constant 0 : i32
    %lt3A_23 = arith.cmpi slt, %rem3A_20, %lt3A : i32
    %lt3A_24 = arith.constant 0 : i32
    %lt3A_25 = arith.cmpi slt, %select_n3A_19, %lt3A_24 : i32
    %ne3A_26 = arith.xori %lt3A_23, %lt3A_25 : i1
    %and3A_27 = arith.andi %ne3A_26, %ne3A_22 : i1
    %add3A = arith.addi %rem3A_20, %select_n3A_19 : i32
    %select_n3A_28 = arith.select %and3A_27, %add3A, %rem3A_20 : i32
    %c0_i32 = arith.constant 0 : i32
    %c0_i32_29 = arith.constant 0 : i32
    %c0_i32_30 = arith.constant 0 : i32
    return %select_n3A, %c0_i32, %select_n3A_28, %c0_i32_29 : i32, i32, i32, i32
  }
  func.func @transform_1(%arg0: i32) -> (i32, i32, i32) {
    %jit3A = arith.constant 4 : i32
    %div3A = arith.divsi %arg0, %jit3A : i32
    %sign3A = arith.constant 0 : i32
    %sign3A_0 = arith.cmpi sgt, %arg0, %sign3A : i32
    %sign3A_1 = arith.extui %sign3A_0 : i1 to i32
    %sign3A_2 = arith.constant 0 : i32
    %sign3A_3 = arith.cmpi slt, %arg0, %sign3A_2 : i32
    %sign3A_4 = arith.extui %sign3A_3 : i1 to i32
    %sign3A_5 = arith.subi %sign3A_1, %sign3A_4 : i32
    %sign3A_6 = arith.constant 0 : i32
    %sign3A_7 = arith.cmpi sgt, %jit3A, %sign3A_6 : i32
    %sign3A_8 = arith.extui %sign3A_7 : i1 to i32
    %sign3A_9 = arith.constant 0 : i32
    %sign3A_10 = arith.cmpi slt, %jit3A, %sign3A_9 : i32
    %sign3A_11 = arith.extui %sign3A_10 : i1 to i32
    %sign3A_12 = arith.subi %sign3A_8, %sign3A_11 : i32
    %ne3A = arith.cmpi ne, %sign3A_5, %sign3A_12 : i32
    %rem3A = arith.remsi %arg0, %jit3A : i32
    %ne3A_13 = arith.constant 0 : i32
    %ne3A_14 = arith.cmpi ne, %rem3A, %ne3A_13 : i32
    %and3A = arith.andi %ne3A, %ne3A_14 : i1
    %sub3A = arith.constant 1 : i32
    %sub3A_15 = arith.subi %div3A, %sub3A : i32
    %select_n3A = arith.select %and3A, %sub3A_15, %div3A : i32
    %jit3A_16 = arith.constant 4 : i32
    %eq3A = arith.constant 0 : i32
    %eq3A_17 = arith.cmpi eq, %jit3A_16, %eq3A : i32
    %jit3A_18 = arith.constant 1 : i32
    %select_n3A_19 = arith.select %eq3A_17, %jit3A_18, %jit3A_16 : i32
    %rem3A_20 = arith.remsi %arg0, %select_n3A_19 : i32
    %ne3A_21 = arith.constant 0 : i32
    %ne3A_22 = arith.cmpi ne, %rem3A_20, %ne3A_21 : i32
    %lt3A = arith.constant 0 : i32
    %lt3A_23 = arith.cmpi slt, %rem3A_20, %lt3A : i32
    %lt3A_24 = arith.constant 0 : i32
    %lt3A_25 = arith.cmpi slt, %select_n3A_19, %lt3A_24 : i32
    %ne3A_26 = arith.xori %lt3A_23, %lt3A_25 : i1
    %and3A_27 = arith.andi %ne3A_26, %ne3A_22 : i1
    %add3A = arith.addi %rem3A_20, %select_n3A_19 : i32
    %select_n3A_28 = arith.select %and3A_27, %add3A, %rem3A_20 : i32
    %c0_i32 = arith.constant 0 : i32
    %c0_i32_29 = arith.constant 0 : i32
    return %select_n3A, %select_n3A_28, %c0_i32 : i32, i32, i32
  }
  func.func @transform_2(%arg0: i32) -> (i32, i32) {
    %c0_i32 = arith.constant 0 : i32
    %c0_i32_0 = arith.constant 0 : i32
    return %arg0, %c0_i32 : i32, i32
  }
}

module attributes {stable_mosaic.version = 14 : i64} {
  func.func @_select_body(%arg0: i32, %arg1: memref<2048x512xi32, #tpu.memory_space<vmem>>, %arg2: memref<32x256x128xi32, #tpu.memory_space<vmem>>, %arg3: memref<1x1xf32, #tpu.memory_space<smem>>, %arg4: memref<2048x512xi16, #tpu.memory_space<vmem>>) attributes {dimension_semantics = [#tpu.dimension_semantics<arbitrary>], iteration_bounds = array<i64: 1>, scalar_prefetch = 0 : i64, scratch_operands = 1 : i64, tpu.core_type = #tpu.core_type<tc>, window_params = [{pipeline_mode = #tpu.pipeline_mode<synchronous>, transform_indices = @transform_0, window_bounds = array<i64: 2048, 512>}, {pipeline_mode = #tpu.pipeline_mode<synchronous>, transform_indices = @transform_1, window_bounds = array<i64: 32, 256, 128>}, {transform_indices = @transform_2, window_bounds = array<i64: 1, 1>}]} {
    %broadcast_in_dim3A = arith.constant 0 : i32
    %broadcast_in_dim3A_0 = vector.broadcast %broadcast_in_dim3A : i32 to vector<256x128xi32>
    %scan3A = arith.constant 0 : i32
    %scan3A_1 = arith.constant 32 : i32
    %scan3A_2 = arith.addi %scan3A, %scan3A_1 : i32
    %scan3A_3 = arith.constant 1 : i32
    %scan3A_4 = scf.for %scan3A_54 = %scan3A to %scan3A_2 step %scan3A_3 iter_args(%scan3A_55 = %broadcast_in_dim3A_0) -> (vector<256x128xi32>)  : i32 {
      %get3A = arith.index_cast %scan3A_54 : i32 to index
      %get3A_56 = arith.constant 0 : index
      %get3A_57 = arith.constant 0 : index
      %get3A_58 = vector.load %arg2[%get3A, %get3A_56, %get3A_57] : memref<32x256x128xi32, #tpu.memory_space<vmem>>, vector<1x256x128xi32>
      %get3A_59 = vector.shape_cast %get3A_58 : vector<1x256x128xi32> to vector<256x128xi32>
      %add3A_60 = arith.addi %scan3A_55, %get3A_59 : vector<256x128xi32>
      scf.yield %add3A_60 : vector<256x128xi32>
    }
    %scan3A_5 = arith.constant 32 : i32
    %iota3A = tpu.iota {dimensions = array<i32: 0>} : vector<256x128xi32>
    %mul3A = arith.constant 128 : i32
    %mul3A_6 = vector.broadcast %mul3A : i32 to vector<256x128xi32>
    %mul3A_7 = arith.muli %iota3A, %mul3A_6 : vector<256x128xi32>
    %iota3A_8 = tpu.iota {dimensions = array<i32: 1>} : vector<256x128xi32>
    %add3A = arith.addi %mul3A_7, %iota3A_8 : vector<256x128xi32>
    %scan3A_9 = arith.constant 0 : i32
    %scan3A_10 = arith.constant 32768 : i32
    %scan3A_11 = arith.constant 0 : i32
    %scan3A_12 = arith.constant 0 : i32
    %scan3A_13 = arith.constant 15 : i32
    %scan3A_14 = arith.addi %scan3A_12, %scan3A_13 : i32
    %scan3A_15 = arith.constant 1 : i32
    %scan3A_16:3 = scf.for %scan3A_54 = %scan3A_12 to %scan3A_14 step %scan3A_15 iter_args(%scan3A_55 = %scan3A_9, %scan3A_56 = %scan3A_10, %scan3A_57 = %scan3A_11) -> (i32, i32, i32)  : i32 {
      %sub3A_58 = arith.subi %scan3A_56, %scan3A_55 : i32
      %jit3A = arith.constant 2 : i32
      %div3A_59 = arith.divsi %sub3A_58, %jit3A : i32
      %sign3A = arith.constant 0 : i32
      %sign3A_60 = arith.cmpi sgt, %sub3A_58, %sign3A : i32
      %sign3A_61 = arith.extui %sign3A_60 : i1 to i32
      %sign3A_62 = arith.constant 0 : i32
      %sign3A_63 = arith.cmpi slt, %sub3A_58, %sign3A_62 : i32
      %sign3A_64 = arith.extui %sign3A_63 : i1 to i32
      %sign3A_65 = arith.subi %sign3A_61, %sign3A_64 : i32
      %sign3A_66 = arith.constant 0 : i32
      %sign3A_67 = arith.cmpi sgt, %jit3A, %sign3A_66 : i32
      %sign3A_68 = arith.extui %sign3A_67 : i1 to i32
      %sign3A_69 = arith.constant 0 : i32
      %sign3A_70 = arith.cmpi slt, %jit3A, %sign3A_69 : i32
      %sign3A_71 = arith.extui %sign3A_70 : i1 to i32
      %sign3A_72 = arith.subi %sign3A_68, %sign3A_71 : i32
      %ne3A = arith.cmpi ne, %sign3A_65, %sign3A_72 : i32
      %rem3A = arith.remsi %sub3A_58, %jit3A : i32
      %ne3A_73 = arith.constant 0 : i32
      %ne3A_74 = arith.cmpi ne, %rem3A, %ne3A_73 : i32
      %and3A = arith.andi %ne3A, %ne3A_74 : i1
      %sub3A_75 = arith.constant 1 : i32
      %sub3A_76 = arith.subi %div3A_59, %sub3A_75 : i32
      %select_n3A = arith.select %and3A, %sub3A_76, %div3A_59 : i32
      %add3A_77 = arith.addi %scan3A_55, %select_n3A : i32
      %ge3A = vector.broadcast %add3A_77 : i32 to vector<256x128xi32>
      %ge3A_78 = arith.cmpi sge, %add3A, %ge3A : vector<256x128xi32>
      %jit3A_79 = arith.constant 0 : i32
      %broadcast_in_dim3A_80 = vector.broadcast %jit3A_79 : i32 to vector<256x128xi32>
      %select_n3A_81 = arith.select %ge3A_78, %scan3A_4, %broadcast_in_dim3A_80 : vector<256x128xi1>, vector<256x128xi32>
      %reduce_sum3A_82 = vector.shape_cast %select_n3A_81 : vector<256x128xi32> to vector<1x256x128xi32>
      %reduce_sum3A_83 = arith.constant dense<0> : vector<1xi32>
      %reduce_sum3A_84 = vector.multi_reduction <add>, %reduce_sum3A_82, %reduce_sum3A_83 [1, 2] : vector<1x256x128xi32> to vector<1xi32>
      %reduce_sum3A_85 = vector.shape_cast %reduce_sum3A_84 : vector<1xi32> to vector<1x1x1xi32>
      %reduce_sum3A_86 = vector.extract %reduce_sum3A_85[0, 0, 0] : i32 from vector<1x1x1xi32>
      %ge3A_87 = arith.constant 734003 : i32
      %ge3A_88 = arith.cmpi sge, %reduce_sum3A_86, %ge3A_87 : i32
      %select_n3A_89 = arith.select %ge3A_88, %add3A_77, %scan3A_55 : i32
      %select_n3A_90 = arith.select %ge3A_88, %scan3A_56, %add3A_77 : i32
      %select_n3A_91 = arith.select %ge3A_88, %scan3A_57, %reduce_sum3A_86 : i32
      scf.yield %select_n3A_89, %select_n3A_90, %select_n3A_91 : i32, i32, i32
    }
    %sub3A = arith.constant 734003 : i32
    %sub3A_17 = arith.subi %sub3A, %scan3A_16#2 : i32
    %scan3A_18 = arith.constant 0 : i32
    %scan3A_19 = arith.constant 16 : i32
    %scan3A_20 = arith.addi %scan3A_18, %scan3A_19 : i32
    %scan3A_21 = arith.constant 1 : i32
    scf.for %scan3A_54 = %scan3A_18 to %scan3A_20 step %scan3A_21  : i32 {
      %mul3A_55 = arith.constant 4 : i32
      %mul3A_56 = arith.muli %scan3A_54, %mul3A_55 : i32
      %add3A_57 = arith.constant 0 : i32
      %add3A_58 = arith.addi %mul3A_56, %add3A_57 : i32
      %mul3A_59 = arith.constant 32 : i32
      %mul3A_60 = arith.muli %add3A_58, %mul3A_59 : i32
      %get3A = arith.index_cast %mul3A_60 : i32 to index
      %get3A_61 = arith.constant 0 : index
      %get3A_62 = vector.load %arg1[%get3A, %get3A_61] : memref<2048x512xi32, #tpu.memory_space<vmem>>, vector<32x512xi32>
      %shift_right_arithmetic3A = arith.constant 16 : i32
      %shift_right_arithmetic3A_63 = vector.broadcast %shift_right_arithmetic3A : i32 to vector<32x512xi32>
      %shift_right_arithmetic3A_64 = arith.shrsi %get3A_62, %shift_right_arithmetic3A_63 : vector<32x512xi32>
      %eq3A = vector.broadcast %scan3A_16#0 : i32 to vector<32x512xi32>
      %eq3A_65 = arith.cmpi eq, %shift_right_arithmetic3A_64, %eq3A : vector<32x512xi32>
      %and3A = arith.constant 65535 : i32
      %and3A_66 = vector.broadcast %and3A : i32 to vector<32x512xi32>
      %and3A_67 = arith.andi %get3A_62, %and3A_66 : vector<32x512xi32>
      %jit3A = arith.constant 0 : i32
      %broadcast_in_dim3A_68 = vector.broadcast %jit3A : i32 to vector<32x512xi32>
      %select_n3A = arith.select %eq3A_65, %and3A_67, %broadcast_in_dim3A_68 : vector<32x512xi1>, vector<32x512xi32>
      %sub3A_69 = arith.constant 32768 : i32
      %sub3A_70 = vector.broadcast %sub3A_69 : i32 to vector<32x512xi32>
      %sub3A_71 = arith.subi %select_n3A, %sub3A_70 : vector<32x512xi32>
      %convert_element_type3A_72 = arith.trunci %sub3A_71 : vector<32x512xi32> to vector<32x512xi16>
      %swap3A_73 = arith.index_cast %mul3A_60 : i32 to index
      %swap3A_74 = arith.constant 0 : index
      %swap3A_75 = vector.load %arg4[%swap3A_73, %swap3A_74] : memref<2048x512xi16, #tpu.memory_space<vmem>>, vector<32x512xi16>
      tpu.vector_store %arg4[%swap3A_73, %swap3A_74], %convert_element_type3A_72 {strides = array<i32>} : memref<2048x512xi16, #tpu.memory_space<vmem>>, vector<32x512xi16>,
      %mul3A_76 = arith.constant 4 : i32
      %mul3A_77 = arith.muli %scan3A_54, %mul3A_76 : i32
      %add3A_78 = arith.constant 1 : i32
      %add3A_79 = arith.addi %mul3A_77, %add3A_78 : i32
      %mul3A_80 = arith.constant 32 : i32
      %mul3A_81 = arith.muli %add3A_79, %mul3A_80 : i32
      %get3A_82 = arith.index_cast %mul3A_81 : i32 to index
      %get3A_83 = arith.constant 0 : index
      %get3A_84 = vector.load %arg1[%get3A_82, %get3A_83] : memref<2048x512xi32, #tpu.memory_space<vmem>>, vector<32x512xi32>
      %shift_right_arithmetic3A_85 = arith.constant 16 : i32
      %shift_right_arithmetic3A_86 = vector.broadcast %shift_right_arithmetic3A_85 : i32 to vector<32x512xi32>
      %shift_right_arithmetic3A_87 = arith.shrsi %get3A_84, %shift_right_arithmetic3A_86 : vector<32x512xi32>
      %eq3A_88 = vector.broadcast %scan3A_16#0 : i32 to vector<32x512xi32>
      %eq3A_89 = arith.cmpi eq, %shift_right_arithmetic3A_87, %eq3A_88 : vector<32x512xi32>
      %and3A_90 = arith.constant 65535 : i32
      %and3A_91 = vector.broadcast %and3A_90 : i32 to vector<32x512xi32>
      %and3A_92 = arith.andi %get3A_84, %and3A_91 : vector<32x512xi32>
      %jit3A_93 = arith.constant 0 : i32
      %broadcast_in_dim3A_94 = vector.broadcast %jit3A_93 : i32 to vector<32x512xi32>
      %select_n3A_95 = arith.select %eq3A_89, %and3A_92, %broadcast_in_dim3A_94 : vector<32x512xi1>, vector<32x512xi32>
      %sub3A_96 = arith.constant 32768 : i32
      %sub3A_97 = vector.broadcast %sub3A_96 : i32 to vector<32x512xi32>
      %sub3A_98 = arith.subi %select_n3A_95, %sub3A_97 : vector<32x512xi32>
      %convert_element_type3A_99 = arith.trunci %sub3A_98 : vector<32x512xi32> to vector<32x512xi16>
      %swap3A_100 = arith.index_cast %mul3A_81 : i32 to index
      %swap3A_101 = arith.constant 0 : index
      %swap3A_102 = vector.load %arg4[%swap3A_100, %swap3A_101] : memref<2048x512xi16, #tpu.memory_space<vmem>>, vector<32x512xi16>
      tpu.vector_store %arg4[%swap3A_100, %swap3A_101], %convert_element_type3A_99 {strides = array<i32>} : memref<2048x512xi16, #tpu.memory_space<vmem>>, vector<32x512xi16>,
      %mul3A_103 = arith.constant 4 : i32
      %mul3A_104 = arith.muli %scan3A_54, %mul3A_103 : i32
      %add3A_105 = arith.constant 2 : i32
      %add3A_106 = arith.addi %mul3A_104, %add3A_105 : i32
      %mul3A_107 = arith.constant 32 : i32
      %mul3A_108 = arith.muli %add3A_106, %mul3A_107 : i32
      %get3A_109 = arith.index_cast %mul3A_108 : i32 to index
      %get3A_110 = arith.constant 0 : index
      %get3A_111 = vector.load %arg1[%get3A_109, %get3A_110] : memref<2048x512xi32, #tpu.memory_space<vmem>>, vector<32x512xi32>
      %shift_right_arithmetic3A_112 = arith.constant 16 : i32
      %shift_right_arithmetic3A_113 = vector.broadcast %shift_right_arithmetic3A_112 : i32 to vector<32x512xi32>
      %shift_right_arithmetic3A_114 = arith.shrsi %get3A_111, %shift_right_arithmetic3A_113 : vector<32x512xi32>
      %eq3A_115 = vector.broadcast %scan3A_16#0 : i32 to vector<32x512xi32>
      %eq3A_116 = arith.cmpi eq, %shift_right_arithmetic3A_114, %eq3A_115 : vector<32x512xi32>
      %and3A_117 = arith.constant 65535 : i32
      %and3A_118 = vector.broadcast %and3A_117 : i32 to vector<32x512xi32>
      %and3A_119 = arith.andi %get3A_111, %and3A_118 : vector<32x512xi32>
      %jit3A_120 = arith.constant 0 : i32
      %broadcast_in_dim3A_121 = vector.broadcast %jit3A_120 : i32 to vector<32x512xi32>
      %select_n3A_122 = arith.select %eq3A_116, %and3A_119, %broadcast_in_dim3A_121 : vector<32x512xi1>, vector<32x512xi32>
      %sub3A_123 = arith.constant 32768 : i32
      %sub3A_124 = vector.broadcast %sub3A_123 : i32 to vector<32x512xi32>
      %sub3A_125 = arith.subi %select_n3A_122, %sub3A_124 : vector<32x512xi32>
      %convert_element_type3A_126 = arith.trunci %sub3A_125 : vector<32x512xi32> to vector<32x512xi16>
      %swap3A_127 = arith.index_cast %mul3A_108 : i32 to index
      %swap3A_128 = arith.constant 0 : index
      %swap3A_129 = vector.load %arg4[%swap3A_127, %swap3A_128] : memref<2048x512xi16, #tpu.memory_space<vmem>>, vector<32x512xi16>
      tpu.vector_store %arg4[%swap3A_127, %swap3A_128], %convert_element_type3A_126 {strides = array<i32>} : memref<2048x512xi16, #tpu.memory_space<vmem>>, vector<32x512xi16>,
      %mul3A_130 = arith.constant 4 : i32
      %mul3A_131 = arith.muli %scan3A_54, %mul3A_130 : i32
      %add3A_132 = arith.constant 3 : i32
      %add3A_133 = arith.addi %mul3A_131, %add3A_132 : i32
      %mul3A_134 = arith.constant 32 : i32
      %mul3A_135 = arith.muli %add3A_133, %mul3A_134 : i32
      %get3A_136 = arith.index_cast %mul3A_135 : i32 to index
      %get3A_137 = arith.constant 0 : index
      %get3A_138 = vector.load %arg1[%get3A_136, %get3A_137] : memref<2048x512xi32, #tpu.memory_space<vmem>>, vector<32x512xi32>
      %shift_right_arithmetic3A_139 = arith.constant 16 : i32
      %shift_right_arithmetic3A_140 = vector.broadcast %shift_right_arithmetic3A_139 : i32 to vector<32x512xi32>
      %shift_right_arithmetic3A_141 = arith.shrsi %get3A_138, %shift_right_arithmetic3A_140 : vector<32x512xi32>
      %eq3A_142 = vector.broadcast %scan3A_16#0 : i32 to vector<32x512xi32>
      %eq3A_143 = arith.cmpi eq, %shift_right_arithmetic3A_141, %eq3A_142 : vector<32x512xi32>
      %and3A_144 = arith.constant 65535 : i32
      %and3A_145 = vector.broadcast %and3A_144 : i32 to vector<32x512xi32>
      %and3A_146 = arith.andi %get3A_138, %and3A_145 : vector<32x512xi32>
      %jit3A_147 = arith.constant 0 : i32
      %broadcast_in_dim3A_148 = vector.broadcast %jit3A_147 : i32 to vector<32x512xi32>
      %select_n3A_149 = arith.select %eq3A_143, %and3A_146, %broadcast_in_dim3A_148 : vector<32x512xi1>, vector<32x512xi32>
      %sub3A_150 = arith.constant 32768 : i32
      %sub3A_151 = vector.broadcast %sub3A_150 : i32 to vector<32x512xi32>
      %sub3A_152 = arith.subi %select_n3A_149, %sub3A_151 : vector<32x512xi32>
      %convert_element_type3A_153 = arith.trunci %sub3A_152 : vector<32x512xi32> to vector<32x512xi16>
      %swap3A_154 = arith.index_cast %mul3A_135 : i32 to index
      %swap3A_155 = arith.constant 0 : index
      %swap3A_156 = vector.load %arg4[%swap3A_154, %swap3A_155] : memref<2048x512xi16, #tpu.memory_space<vmem>>, vector<32x512xi16>
      tpu.vector_store %arg4[%swap3A_154, %swap3A_155], %convert_element_type3A_153 {strides = array<i32>} : memref<2048x512xi16, #tpu.memory_space<vmem>>, vector<32x512xi16>,
    }
    %scan3A_22 = arith.constant 16 : i32
    %scan3A_23 = arith.constant 0 : i32
    %scan3A_24 = arith.constant 65536 : i32
    %scan3A_25 = arith.constant 0 : i32
    %scan3A_26 = arith.constant 16 : i32
    %scan3A_27 = arith.addi %scan3A_25, %scan3A_26 : i32
    %scan3A_28 = arith.constant 1 : i32
    %scan3A_29:2 = scf.for %scan3A_54 = %scan3A_25 to %scan3A_27 step %scan3A_28 iter_args(%scan3A_55 = %scan3A_23, %scan3A_56 = %scan3A_24) -> (i32, i32)  : i32 {
      %sub3A_57 = arith.subi %scan3A_56, %scan3A_55 : i32
      %jit3A = arith.constant 2 : i32
      %div3A_58 = arith.divsi %sub3A_57, %jit3A : i32
      %sign3A = arith.constant 0 : i32
      %sign3A_59 = arith.cmpi sgt, %sub3A_57, %sign3A : i32
      %sign3A_60 = arith.extui %sign3A_59 : i1 to i32
      %sign3A_61 = arith.constant 0 : i32
      %sign3A_62 = arith.cmpi slt, %sub3A_57, %sign3A_61 : i32
      %sign3A_63 = arith.extui %sign3A_62 : i1 to i32
      %sign3A_64 = arith.subi %sign3A_60, %sign3A_63 : i32
      %sign3A_65 = arith.constant 0 : i32
      %sign3A_66 = arith.cmpi sgt, %jit3A, %sign3A_65 : i32
      %sign3A_67 = arith.extui %sign3A_66 : i1 to i32
      %sign3A_68 = arith.constant 0 : i32
      %sign3A_69 = arith.cmpi slt, %jit3A, %sign3A_68 : i32
      %sign3A_70 = arith.extui %sign3A_69 : i1 to i32
      %sign3A_71 = arith.subi %sign3A_67, %sign3A_70 : i32
      %ne3A = arith.cmpi ne, %sign3A_64, %sign3A_71 : i32
      %rem3A = arith.remsi %sub3A_57, %jit3A : i32
      %ne3A_72 = arith.constant 0 : i32
      %ne3A_73 = arith.cmpi ne, %rem3A, %ne3A_72 : i32
      %and3A = arith.andi %ne3A, %ne3A_73 : i1
      %sub3A_74 = arith.constant 1 : i32
      %sub3A_75 = arith.subi %div3A_58, %sub3A_74 : i32
      %select_n3A = arith.select %and3A, %sub3A_75, %div3A_58 : i32
      %add3A_76 = arith.addi %scan3A_55, %select_n3A : i32
      %sub3A_77 = arith.constant 32768 : i32
      %sub3A_78 = arith.subi %add3A_76, %sub3A_77 : i32
      %convert_element_type3A_79 = arith.trunci %sub3A_78 : i32 to i16
      %broadcast_in_dim3A_80 = arith.constant 0 : i16
      %broadcast_in_dim3A_81 = vector.broadcast %broadcast_in_dim3A_80 : i16 to vector<64x512xi16>
      %scan3A_82 = arith.constant 0 : i32
      %scan3A_83 = arith.constant 8 : i32
      %scan3A_84 = arith.addi %scan3A_82, %scan3A_83 : i32
      %scan3A_85 = arith.constant 1 : i32
      %scan3A_86 = scf.for %scan3A_96 = %scan3A_82 to %scan3A_84 step %scan3A_85 iter_args(%scan3A_97 = %broadcast_in_dim3A_81) -> (vector<64x512xi16>)  : i32 {
        %mul3A_98 = arith.constant 4 : i32
        %mul3A_99 = arith.muli %scan3A_96, %mul3A_98 : i32
        %add3A_100 = arith.constant 0 : i32
        %add3A_101 = arith.addi %mul3A_99, %add3A_100 : i32
        %mul3A_102 = arith.constant 64 : i32
        %mul3A_103 = arith.muli %add3A_101, %mul3A_102 : i32
        %get3A = arith.index_cast %mul3A_103 : i32 to index
        %get3A_104 = arith.constant 0 : index
        %get3A_105 = vector.load %arg4[%get3A, %get3A_104] : memref<2048x512xi16, #tpu.memory_space<vmem>>, vector<64x512xi16>
        %ge3A_106 = vector.broadcast %convert_element_type3A_79 : i16 to vector<64x512xi16>
        %ge3A_107 = arith.cmpi sge, %get3A_105, %ge3A_106 : vector<64x512xi16>
        %convert_element_type3A_108 = arith.extui %ge3A_107 : vector<64x512xi1> to vector<64x512xi16>
        %add3A_109 = arith.addi %scan3A_97, %convert_element_type3A_108 : vector<64x512xi16>
        %mul3A_110 = arith.constant 4 : i32
        %mul3A_111 = arith.muli %scan3A_96, %mul3A_110 : i32
        %add3A_112 = arith.constant 1 : i32
        %add3A_113 = arith.addi %mul3A_111, %add3A_112 : i32
        %mul3A_114 = arith.constant 64 : i32
        %mul3A_115 = arith.muli %add3A_113, %mul3A_114 : i32
        %get3A_116 = arith.index_cast %mul3A_115 : i32 to index
        %get3A_117 = arith.constant 0 : index
        %get3A_118 = vector.load %arg4[%get3A_116, %get3A_117] : memref<2048x512xi16, #tpu.memory_space<vmem>>, vector<64x512xi16>
        %ge3A_119 = vector.broadcast %convert_element_type3A_79 : i16 to vector<64x512xi16>
        %ge3A_120 = arith.cmpi sge, %get3A_118, %ge3A_119 : vector<64x512xi16>
        %convert_element_type3A_121 = arith.extui %ge3A_120 : vector<64x512xi1> to vector<64x512xi16>
        %add3A_122 = arith.addi %add3A_109, %convert_element_type3A_121 : vector<64x512xi16>
        %mul3A_123 = arith.constant 4 : i32
        %mul3A_124 = arith.muli %scan3A_96, %mul3A_123 : i32
        %add3A_125 = arith.constant 2 : i32
        %add3A_126 = arith.addi %mul3A_124, %add3A_125 : i32
        %mul3A_127 = arith.constant 64 : i32
        %mul3A_128 = arith.muli %add3A_126, %mul3A_127 : i32
        %get3A_129 = arith.index_cast %mul3A_128 : i32 to index
        %get3A_130 = arith.constant 0 : index
        %get3A_131 = vector.load %arg4[%get3A_129, %get3A_130] : memref<2048x512xi16, #tpu.memory_space<vmem>>, vector<64x512xi16>
        %ge3A_132 = vector.broadcast %convert_element_type3A_79 : i16 to vector<64x512xi16>
        %ge3A_133 = arith.cmpi sge, %get3A_131, %ge3A_132 : vector<64x512xi16>
        %convert_element_type3A_134 = arith.extui %ge3A_133 : vector<64x512xi1> to vector<64x512xi16>
        %add3A_135 = arith.addi %add3A_122, %convert_element_type3A_134 : vector<64x512xi16>
        %mul3A_136 = arith.constant 4 : i32
        %mul3A_137 = arith.muli %scan3A_96, %mul3A_136 : i32
        %add3A_138 = arith.constant 3 : i32
        %add3A_139 = arith.addi %mul3A_137, %add3A_138 : i32
        %mul3A_140 = arith.constant 64 : i32
        %mul3A_141 = arith.muli %add3A_139, %mul3A_140 : i32
        %get3A_142 = arith.index_cast %mul3A_141 : i32 to index
        %get3A_143 = arith.constant 0 : index
        %get3A_144 = vector.load %arg4[%get3A_142, %get3A_143] : memref<2048x512xi16, #tpu.memory_space<vmem>>, vector<64x512xi16>
        %ge3A_145 = vector.broadcast %convert_element_type3A_79 : i16 to vector<64x512xi16>
        %ge3A_146 = arith.cmpi sge, %get3A_144, %ge3A_145 : vector<64x512xi16>
        %convert_element_type3A_147 = arith.extui %ge3A_146 : vector<64x512xi1> to vector<64x512xi16>
        %add3A_148 = arith.addi %add3A_135, %convert_element_type3A_147 : vector<64x512xi16>
        scf.yield %add3A_148 : vector<64x512xi16>
      }
      %scan3A_87 = arith.constant 8 : i32
      %convert_element_type3A_88 = arith.extsi %scan3A_86 : vector<64x512xi16> to vector<64x512xi32>
      %reduce_sum3A_89 = vector.shape_cast %convert_element_type3A_88 : vector<64x512xi32> to vector<1x64x512xi32>
      %reduce_sum3A_90 = arith.constant dense<0> : vector<1xi32>
      %reduce_sum3A_91 = vector.multi_reduction <add>, %reduce_sum3A_89, %reduce_sum3A_90 [1, 2] : vector<1x64x512xi32> to vector<1xi32>
      %reduce_sum3A_92 = vector.shape_cast %reduce_sum3A_91 : vector<1xi32> to vector<1x1x1xi32>
      %reduce_sum3A_93 = vector.extract %reduce_sum3A_92[0, 0, 0] : i32 from vector<1x1x1xi32>
      %ge3A = arith.cmpi sge, %reduce_sum3A_93, %sub3A_17 : i32
      %select_n3A_94 = arith.select %ge3A, %add3A_76, %scan3A_55 : i32
      %select_n3A_95 = arith.select %ge3A, %scan3A_56, %add3A_76 : i32
      scf.yield %select_n3A_94, %select_n3A_95 : i32, i32
    }
    %shift_left3A = arith.constant 16 : i32
    %shift_left3A_30 = arith.shli %scan3A_16#0, %shift_left3A : i32
    %or3A = arith.ori %shift_left3A_30, %scan3A_29#0 : i32
    %broadcast_in_dim3A_31 = arith.constant 0.000000e+00 : f32
    %broadcast_in_dim3A_32 = vector.broadcast %broadcast_in_dim3A_31 : f32 to vector<32x512xf32>
    %broadcast_in_dim3A_33 = arith.constant 0 : i32
    %broadcast_in_dim3A_34 = vector.broadcast %broadcast_in_dim3A_33 : i32 to vector<32x512xi32>
    %scan3A_35 = arith.constant 0 : i32
    %scan3A_36 = arith.constant 16 : i32
    %scan3A_37 = arith.addi %scan3A_35, %scan3A_36 : i32
    %scan3A_38 = arith.constant 1 : i32
    %scan3A_39:2 = scf.for %scan3A_54 = %scan3A_35 to %scan3A_37 step %scan3A_38 iter_args(%scan3A_55 = %broadcast_in_dim3A_32, %scan3A_56 = %broadcast_in_dim3A_34) -> (vector<32x512xf32>, vector<32x512xi32>)  : i32 {
      %mul3A_57 = arith.constant 4 : i32
      %mul3A_58 = arith.muli %scan3A_54, %mul3A_57 : i32
      %add3A_59 = arith.constant 0 : i32
      %add3A_60 = arith.addi %mul3A_58, %add3A_59 : i32
      %mul3A_61 = arith.constant 32 : i32
      %mul3A_62 = arith.muli %add3A_60, %mul3A_61 : i32
      %get3A = arith.index_cast %mul3A_62 : i32 to index
      %get3A_63 = arith.constant 0 : index
      %get3A_64 = vector.load %arg1[%get3A, %get3A_63] : memref<2048x512xi32, #tpu.memory_space<vmem>>, vector<32x512xi32>
      %bitcast_convert_type3A = tpu.bitcast %get3A_64 : vector<32x512xi32> -> vector<32x512xf32>
      %ge3A = vector.broadcast %or3A : i32 to vector<32x512xi32>
      %ge3A_65 = arith.cmpi sge, %get3A_64, %ge3A : vector<32x512xi32>
      %jit3A = arith.constant 0.000000e+00 : f32
      %broadcast_in_dim3A_66 = vector.broadcast %jit3A : f32 to vector<32x512xf32>
      %select_n3A = arith.select %ge3A_65, %bitcast_convert_type3A, %broadcast_in_dim3A_66 : vector<32x512xi1>, vector<32x512xf32>
      %add3A_67 = arith.addf %scan3A_55, %select_n3A : vector<32x512xf32>
      %convert_element_type3A_68 = arith.extui %ge3A_65 : vector<32x512xi1> to vector<32x512xi32>
      %add3A_69 = arith.addi %scan3A_56, %convert_element_type3A_68 : vector<32x512xi32>
      %mul3A_70 = arith.constant 4 : i32
      %mul3A_71 = arith.muli %scan3A_54, %mul3A_70 : i32
      %add3A_72 = arith.constant 1 : i32
      %add3A_73 = arith.addi %mul3A_71, %add3A_72 : i32
      %mul3A_74 = arith.constant 32 : i32
      %mul3A_75 = arith.muli %add3A_73, %mul3A_74 : i32
      %get3A_76 = arith.index_cast %mul3A_75 : i32 to index
      %get3A_77 = arith.constant 0 : index
      %get3A_78 = vector.load %arg1[%get3A_76, %get3A_77] : memref<2048x512xi32, #tpu.memory_space<vmem>>, vector<32x512xi32>
      %bitcast_convert_type3A_79 = tpu.bitcast %get3A_78 : vector<32x512xi32> -> vector<32x512xf32>
      %ge3A_80 = vector.broadcast %or3A : i32 to vector<32x512xi32>
      %ge3A_81 = arith.cmpi sge, %get3A_78, %ge3A_80 : vector<32x512xi32>
      %jit3A_82 = arith.constant 0.000000e+00 : f32
      %broadcast_in_dim3A_83 = vector.broadcast %jit3A_82 : f32 to vector<32x512xf32>
      %select_n3A_84 = arith.select %ge3A_81, %bitcast_convert_type3A_79, %broadcast_in_dim3A_83 : vector<32x512xi1>, vector<32x512xf32>
      %add3A_85 = arith.addf %add3A_67, %select_n3A_84 : vector<32x512xf32>
      %convert_element_type3A_86 = arith.extui %ge3A_81 : vector<32x512xi1> to vector<32x512xi32>
      %add3A_87 = arith.addi %add3A_69, %convert_element_type3A_86 : vector<32x512xi32>
      %mul3A_88 = arith.constant 4 : i32
      %mul3A_89 = arith.muli %scan3A_54, %mul3A_88 : i32
      %add3A_90 = arith.constant 2 : i32
      %add3A_91 = arith.addi %mul3A_89, %add3A_90 : i32
      %mul3A_92 = arith.constant 32 : i32
      %mul3A_93 = arith.muli %add3A_91, %mul3A_92 : i32
      %get3A_94 = arith.index_cast %mul3A_93 : i32 to index
      %get3A_95 = arith.constant 0 : index
      %get3A_96 = vector.load %arg1[%get3A_94, %get3A_95] : memref<2048x512xi32, #tpu.memory_space<vmem>>, vector<32x512xi32>
      %bitcast_convert_type3A_97 = tpu.bitcast %get3A_96 : vector<32x512xi32> -> vector<32x512xf32>
      %ge3A_98 = vector.broadcast %or3A : i32 to vector<32x512xi32>
      %ge3A_99 = arith.cmpi sge, %get3A_96, %ge3A_98 : vector<32x512xi32>
      %jit3A_100 = arith.constant 0.000000e+00 : f32
      %broadcast_in_dim3A_101 = vector.broadcast %jit3A_100 : f32 to vector<32x512xf32>
      %select_n3A_102 = arith.select %ge3A_99, %bitcast_convert_type3A_97, %broadcast_in_dim3A_101 : vector<32x512xi1>, vector<32x512xf32>
      %add3A_103 = arith.addf %add3A_85, %select_n3A_102 : vector<32x512xf32>
      %convert_element_type3A_104 = arith.extui %ge3A_99 : vector<32x512xi1> to vector<32x512xi32>
      %add3A_105 = arith.addi %add3A_87, %convert_element_type3A_104 : vector<32x512xi32>
      %mul3A_106 = arith.constant 4 : i32
      %mul3A_107 = arith.muli %scan3A_54, %mul3A_106 : i32
      %add3A_108 = arith.constant 3 : i32
      %add3A_109 = arith.addi %mul3A_107, %add3A_108 : i32
      %mul3A_110 = arith.constant 32 : i32
      %mul3A_111 = arith.muli %add3A_109, %mul3A_110 : i32
      %get3A_112 = arith.index_cast %mul3A_111 : i32 to index
      %get3A_113 = arith.constant 0 : index
      %get3A_114 = vector.load %arg1[%get3A_112, %get3A_113] : memref<2048x512xi32, #tpu.memory_space<vmem>>, vector<32x512xi32>
      %bitcast_convert_type3A_115 = tpu.bitcast %get3A_114 : vector<32x512xi32> -> vector<32x512xf32>
      %ge3A_116 = vector.broadcast %or3A : i32 to vector<32x512xi32>
      %ge3A_117 = arith.cmpi sge, %get3A_114, %ge3A_116 : vector<32x512xi32>
      %jit3A_118 = arith.constant 0.000000e+00 : f32
      %broadcast_in_dim3A_119 = vector.broadcast %jit3A_118 : f32 to vector<32x512xf32>
      %select_n3A_120 = arith.select %ge3A_117, %bitcast_convert_type3A_115, %broadcast_in_dim3A_119 : vector<32x512xi1>, vector<32x512xf32>
      %add3A_121 = arith.addf %add3A_103, %select_n3A_120 : vector<32x512xf32>
      %convert_element_type3A_122 = arith.extui %ge3A_117 : vector<32x512xi1> to vector<32x512xi32>
      %add3A_123 = arith.addi %add3A_105, %convert_element_type3A_122 : vector<32x512xi32>
      scf.yield %add3A_121, %add3A_123 : vector<32x512xf32>, vector<32x512xi32>
    }
    %scan3A_40 = arith.constant 16 : i32
    %reduce_sum3A = vector.shape_cast %scan3A_39#0 : vector<32x512xf32> to vector<1x32x512xf32>
    %reduce_sum3A_41 = arith.constant dense<0.000000e+00> : vector<1xf32>
    %reduce_sum3A_42 = vector.multi_reduction <add>, %reduce_sum3A, %reduce_sum3A_41 [1, 2] : vector<1x32x512xf32> to vector<1xf32>
    %reduce_sum3A_43 = vector.shape_cast %reduce_sum3A_42 : vector<1xf32> to vector<1x1x1xf32>
    %reduce_sum3A_44 = vector.extract %reduce_sum3A_43[0, 0, 0] : f32 from vector<1x1x1xf32>
    %reduce_sum3A_45 = vector.shape_cast %scan3A_39#1 : vector<32x512xi32> to vector<1x32x512xi32>
    %reduce_sum3A_46 = arith.constant dense<0> : vector<1xi32>
    %reduce_sum3A_47 = vector.multi_reduction <add>, %reduce_sum3A_45, %reduce_sum3A_46 [1, 2] : vector<1x32x512xi32> to vector<1xi32>
    %reduce_sum3A_48 = vector.shape_cast %reduce_sum3A_47 : vector<1xi32> to vector<1x1x1xi32>
    %reduce_sum3A_49 = vector.extract %reduce_sum3A_48[0, 0, 0] : i32 from vector<1x1x1xi32>
    %convert_element_type3A = arith.sitofp %reduce_sum3A_49 : i32 to f32
    %add3A_50 = arith.constant 1.000000e-07 : f32
    %add3A_51 = arith.addf %convert_element_type3A, %add3A_50 : f32
    %div3A = arith.divf %reduce_sum3A_44, %add3A_51 : f32
    %swap3A = arith.constant 0 : index
    %swap3A_52 = arith.constant 0 : index
    %swap3A_53 = memref.load %arg3[%swap3A, %swap3A_52] : memref<1x1xf32, #tpu.memory_space<smem>>
    memref.store %div3A, %arg3[%swap3A, %swap3A_52] : memref<1x1xf32, #tpu.memory_space<smem>>
    return
  }
  func.func @transform_0(%arg0: i32) -> (i32, i32) {
    %c0_i32 = arith.constant 0 : i32
    %c0_i32_0 = arith.constant 0 : i32
    %c0_i32_1 = arith.constant 0 : i32
    return %c0_i32, %c0_i32_0 : i32, i32
  }
  func.func @transform_1(%arg0: i32) -> (i32, i32, i32) {
    %c0_i32 = arith.constant 0 : i32
    %c0_i32_0 = arith.constant 0 : i32
    %c0_i32_1 = arith.constant 0 : i32
    %c0_i32_2 = arith.constant 0 : i32
    return %c0_i32, %c0_i32_0, %c0_i32_1 : i32, i32, i32
  }
  func.func @transform_2(%arg0: i32) -> (i32, i32) {
    %c0_i32 = arith.constant 0 : i32
    %c0_i32_0 = arith.constant 0 : i32
    %c0_i32_1 = arith.constant 0 : i32
    return %c0_i32, %c0_i32_0 : i32, i32
  }
}

</mosaic_0001>

<sc_bundles>
// kernel: kernel.5.cloned.1.call-start
scs
__scs_entry_jumppad:
0x0: {  	(pc) =	sbr.rel $0x88, $3  }
0x1: {  	(tag) =	ssettag $0x0;
	lr =	simm.s32 $0x1  }
0x2: {  	[smem:$0x3F9F] =	sst lr;
	_ =	strace $0xD0000000  }
0x3: {  	_ = 	snop  }
0x4: {  	_ = 	snop  }
0x5: {  	_ = 	snop  }
0x6: {  	_ = 	snop  }
0x7: {  	_ = 	snop  }
__scs_overlays_trampoline_lowered:
0x8: {  	[smem:$0x3FAE] =	sst s0  }
0x9: {  	[smem:$0x3FAF] =	sst s1  }
0xa: {  	[smem:$0x3FB0] =	sst s2  }
0xb: {  	[smem:$0x3FB1] =	sst s3  }
0xc: {  	[smem:$0x3FB2] =	sst s4  }
0xd: {  	[smem:$0x3FB3] =	sst s5  }
0xe: {  	[smem:$0x3FB4] =	sst s6  }
0xf: {  	[smem:$0x3FB5] =	sst s7  }
0x10: {  	[smem:$0x3FB6] =	sst s8  }
0x11: {  	[smem:$0x3FB7] =	sst s9;
	s0 =	simm.s32 @!p0 $0x0  }
0x12: {  	s1 =	sld [smem:$0x3F9D];
	s0 =	simm.s32 @p0 $0x1  }
0x13: {  	[smem:$0x3FB8] =	sst s0;
	s0 =	simm.s32 @!p1 $0x0  }
0x14: {  	s2 =	sld [smem:$0x3F9C];
	s0 =	simm.s32 @p1 $0x1  }
0x15: {  	[smem:$0x3FB9] =	sst s0;
	s0 =	simm.s32 @!p2 $0x0  }
0x16: {  	s3 =	sld [smem:$0x3FDB];
	s0 =	simm.s32 @p2 $0x1  }
0x17: {  	s4 =	simm.s32 $0x1BF5;
	[smem:$0x3FBB] =	sst s0  }
0x18: {  	s0 =	sld [smem:$0x3F9E];
	_ =	swait.ge [sflag:s4], $0x0  }
0x19: {  	s7 =	sld [smem:$0x3F9F]  }
0x1a: {  	s8 =	sadd.s32 $0xFFFFE003, lr  }
0x1b: {  	s9 =	sadd.s32 $0xFFFFFEF7, lr;
	s5 =	simm.s32 $0xFFFFFFFF;
	p2 =	slt.u32 s8, $0xFFFFF086  }
0x1c: {  	p1 =	slt.u32 s9, $0xF7A;
	s5 =	simm.s32 @!p2 $0x0  }
0x1d: {  	s5 =	simm.s32 @p1 $0x1;
	p0 =	seq.s32 s7, s2  }
0x1e: {  	s7 =	smul.u32 @!p0 $0xF7A, s2;
	p2 =	seq.s32 @!p0 s5, $0x0  }
0x1f: {  	s9 =	smul.u32 $0xF7A, s1;
	s8 =	simm.s32 @!p0 $0x1BF5;
	p2 =	por !p2, p0  }
0x20: {  	[sflag:s8] =	ssyncset.s32 @!p0 $0xFFFFF086;
	s6 =	sadd.s32 @!p0 s3, s7;
	s7 =	simm.s32 @!p0 $0x108  }
0x21: {  	s3 =	sadd.s32 s3, s9;
	s6 =	sadd.s32 @!p0 $0x88, s6;
	s7 =	simm.s32 @p2 $0x1082  }
0x22: {  	[simem:s7], [sflag:s8] =	dma.local @!p0 [hbm:s6], $0xF7A  }
0x23: {  	s9 =	sor.u32 $0xD0000000, s2;
	s6 =	simm.s32 $0x108;
	_ =	swait.ge @!p0 [sflag:s8], $0x0  }
0x24: {  	s3 =	sadd.s32 $0x88, s3;
	s6 =	simm.s32 @!p1 $0x1082;
	[sflag:s4] =	ssyncset.s32 $0xFFFFF086  }
0x25: {  	[simem:s6], [sflag:s4] =	dma.local [hbm:s3], $0xF7A  }
0x26: {  	[smem:$0x3F9F] =	sst s1;
	(tag) =	ssettag s2;
	_ =	strace s9  }
0x27: {  	s1 =	sld [smem:$0x3FAF]  }
0x28: {  	s2 =	sld [smem:$0x3FB0]  }
0x29: {  	s4 =	sld [smem:$0x3FB2]  }
0x2a: {  	p0 =	seq.s32 s5, $0x0;
	s5 =	sld [smem:$0x3FB3]  }
0x2b: {  	s6 =	sld [smem:$0x3FB4]  }
0x2c: {  	s7 =	sld [smem:$0x3FB5]  }
0x2d: {  	s3 =	simm.s32 $0x108;
	s8 =	sld [smem:$0x3FB6]  }
0x2e: {  	s3 =	simm.s32 @!p0 $0x1082;
	s9 =	sld [smem:$0x3FB7]  }
0x2f: {  	lr =	sadd.s32 s0, s3;
	s0 =	sld [smem:$0x3FAE]  }
0x30: {  	s3 =	sld [smem:$0x3FB1]  }
0x31: {  	[smem:$0x3FBA] =	sst s10  }
0x32: {  	s10 =	sld [smem:$0x3FB8];
	_ =	sdelay $0x3  }
0x33: {  	p0 =	seq.s32 s10, $0x1;
	s10 =	sld [smem:$0x3FBA];
	_ =	sdelay $0x3  }
0x34: {  	[smem:$0x3FBA] =	sst s10  }
0x35: {  	s10 =	sld [smem:$0x3FB9];
	_ =	sdelay $0x3  }
0x36: {  	p1 =	seq.s32 s10, $0x1;
	s10 =	sld [smem:$0x3FBA];
	_ =	sdelay $0x3  }
0x37: {  	[smem:$0x3FBA] =	sst s10  }
0x38: {  	s10 =	sld [smem:$0x3FBB]  }
0x39: {  	_ = 	snop;
	(pc) =	sbr.ind lr, $3  }
0x3a: {  	_ = 	snop  }
0x3b: {  	_ = 	snop  }
0x3c: {  	p2 =	seq.s32 s10, $0x1;
	s10 =	sld [smem:$0x3FBA]  }
0x3d: {  	_ =	shalt  }
0x3e: {  	_ =	shalt  }
0x3f: {  	_ =	shalt  }
0x40: {  	_ =	shalt  }
0x41: {  	_ =	shalt  }
0x42: {  	_ =	shalt  }
0x43: {  	_ =	shalt  }
0x44: {  	_ =	shalt  }
0x45: {  	_ =	shalt  }
0x46: {  	_ =	shalt  }
0x47: {  	_ =	shalt  }
0x48: {  	_ =	shalt  }
0x49: {  	_ =	shalt  }
0x4a: {  	_ =	shalt  }
0x4b: {  	_ =	shalt  }
0x4c: {  	_ =	shalt  }
0x4d: {  	_ =	shalt  }
0x4e: {  	_ =	shalt  }
0x4f: {  	_ =	shalt  }
0x50: {  	_ =	shalt  }
0x51: {  	_ =	shalt  }
0x52: {  	_ =	shalt  }
0x53: {  	_ =	shalt  }
0x54: {  	_ =	shalt  }
0x55: {  	_ =	shalt  }
0x56: {  	_ =	shalt  }
0x57: {  	_ =	shalt  }
0x58: {  	_ =	shalt  }
0x59: {  	_ =	shalt  }
0x5a: {  	_ =	shalt  }
0x5b: {  	_ =	shalt  }
0x5c: {  	_ =	shalt  }
0x5d: {  	_ =	shalt  }
0x5e: {  	_ =	shalt  }
0x5f: {  	_ =	shalt  }
0x60: {  	_ =	shalt  }
0x61: {  	_ =	shalt  }
0x62: {  	_ =	shalt  }
0x63: {  	_ =	shalt  }
0x64: {  	_ =	shalt  }
0x65: {  	_ =	shalt  }
0x66: {  	_ =	shalt  }
0x67: {  	_ =	shalt  }
0x68: {  	_ =	shalt  }
0x69: {  	_ =	shalt  }
0x6a: {  	_ =	shalt  }
0x6b: {  	_ =	shalt  }
0x6c: {  	_ =	shalt  }
0x6d: {  	_ =	shalt  }
0x6e: {  	_ =	shalt  }
0x6f: {  	_ =	shalt  }
0x70: {  	_ =	shalt  }
0x71: {  	_ =	shalt  }
0x72: {  	_ =	shalt  }
0x73: {  	_ =	shalt  }
0x74: {  	_ =	shalt  }
0x75: {  	_ =	shalt  }
0x76: {  	_ =	shalt  }
0x77: {  	_ =	shalt  }
0x78: {  	_ =	shalt  }
0x79: {  	_ =	shalt  }
0x7a: {  	_ =	shalt  }
0x7b: {  	_ =	shalt  }
0x7c: {  	_ =	shalt  }
0x7d: {  	_ =	shalt  }
0x7e: {  	_ =	shalt  }
0x7f: {  	_ =	shalt  }
0x80: {  	_ =	shalt  }
0x81: {  	_ =	shalt  }
0x82: {  	_ =	shalt  }
0x83: {  	_ =	shalt  }
0x84: {  	_ =	shalt  }
0x85: {  	_ =	shalt  }
0x86: {  	_ =	shalt  }
0x87: {  	_ =	shalt  }
.Lfunc_end0:
.L_simem_size_0:
called_computation_lowered:
.L_overlay_start_0:
0x88: {  	s2 =	sld [smem:$0x3FD9]  }
0x89: {  	s3 =	sld [smem:$0x3FFE];
	_ =	sdelay $0x1  }
0x8a: {  	s1 =	srdreg.scid  }
0x8b: {  	s0 =	sand.u32 $0x1, s1  }
0x8c: {  	s16 =	sshll.u32 s0, $0xA;
	s2 =	sadd.s32 s3, s2  }
0x8d: {  	s2 =	sadd.s32 s2, s16  }
0x8e: {  	[smem:$0x3FC6] =	sst s2  }
0x8f: {  	_ = 	snop  }
0x90: {  	(tm) =	ssettm $0x1  }
0x91: {  	s17 =	sld [smem:$0x3FFB];
	_ =	sdelay $0x3  }
0x92: {  	_ =	strace s17  }
0x93: {  	s2 =	sld [smem:$0x3FFC];
	_ =	sdelay $0x3  }
0x94: {  	_ =	strace s2  }
0x95: {  	s2 =	sld [smem:$0x3FFD];
	_ =	sdelay $0x3  }
0x96: {  	_ =	strace s2  }
0x97: {  	_ =	strace $0x8FFFFFFF  }
0x98: {  	s18 =	sld [smem:$0x3FDB];
	_ =	sdelay $0x1  }
0x99: {  	s19 =	simm.s32 $_scs_section_size  }
0x9a: {  	s4 =	simm.s32 $_size__tile_overlayer_lowered;
	s5 =	simm.s32 $_tile_overlayer_lowered  }
0x9b: {  	s22 =	simm.s32 $0x1BFF;
	s21 =	sshll.u32 s5, $0x1;
	s2 =	sadd.s32 s19, s18  }
0x9c: {  	s6 =	simm.s32 $0x0;
	s20 =	sshll.u32 s4, $0x1;
	s4 =	sadd.s32 s21, s2  }
0x9d: {  	[timem:s6], [sflag:s22] =	dma.local [hbm:s4], s20  }
0x9e: {  	_ =	swait.ge [sflag:s22], s20  }
0x9f: {  	s3 =	ssub.s32 $0x0, s20;
	[sflag:s22] =	ssyncset.done $0x0  }
0xa0: {  	[sflag:s22] =	ssyncadd.s32 s3;
	_ =	sdelay $0x1  }
0xa1: {  	s23 =	simm.s32 $0x1B8B  }
0xa2: {  	_ =	swait.ge [sflag:s23], $0x1  }
0xa3: {  	[sflag:s23] =	ssyncset.done $0x0  }
0xa4: {  	s25 =	simm.s32 $0x1B8E;
	s24 =	sld [smem:$0x3FFE];
	[sflag:s23] =	ssyncadd.s32 $0xFFFFFFFF  }
0xa5: {  	s26 =	simm.s32 $execute0_lowered;
	[smem:$0x3FD2] =	sst s25  }
0xa6: {  	s4 =	sshll.u32 s26, $0x1;
	_ =	strace $0x80000046;
	[dreg:$0x1] =	wrdreg $0xFFFFFFFF  }
0xa7: {  	s28 =	simm.s32 $_size_execute0_lowered;
	s2 =	sadd.s32 s2, s4;
	[dreg:$0x0] =	wrdreg $0x0  }
0xa8: {  	s4 =	sshll.u32 s28, $0x1;
	[dreg:$0x2] =	wrdreg s2  }
0xa9: {  	[dreg:$0x3] =	wrdreg s4  }
0xaa: {  	[dreg:$0x4] =	wrdreg $0xC0  }
0xab: {  	_ =	task [dreg:s6], $0x5FFFF  }
0xac: {  	[dreg:$0x1] =	wrdreg $0xFFFFFFFF  }
0xad: {  	[dreg:$0x0] =	wrdreg $0x60  }
0xae: {  	[dreg:$0x2] =	wrdreg s24  }
0xaf: {  	[dreg:$0x3] =	wrdreg $0x9  }
0xb0: {  	_ =	task.clear_ibuf [dreg:s6], $0x4FFFF;
	_ =	strace $0x90000046  }
0xb1: {  	s29 =	simm.s32 $0x9;
	_ =	strace $0x80000048  }
0xb2: {  	_ =	swait.ge [sflag:s29], $0x1  }
0xb3: {  	[sflag:s29] =	ssyncadd.s32 $0xFFFFFFFF  }
0xb4: {  	_ =	strace $0x90000048  }
0xb5: {  	_ =	sfence  }
0xb6: {  	s30 =	sld [smem:$0x0];
	_ =	sdelay $0x2  }
0xb7: {  	s31 =	sshll.u32 s1, $0xD;
	s1 =	sshrl.u32 s1, $0x2  }
0xb8: {  	s3 =	sand.u32 $0x4000, s31;
	s1 =	sadd.s32 s1, s30  }
0xb9: {  	s0 =	sor.u32 s3, s0;
	s1 =	sshll.u32 s1, $0x11  }
0xba: {  	s0 =	sor.u32 s1, s0  }
0xbb: {  	s0 =	sadd.s32 $0x8F2B, s0  }
0xbc: {  	[sflag:s0] =	ssyncadd.remote.s32 $0x1  }
0xbd: {  	_ =	sfence.sel $0xFFFF  }
0xbe: {  	[dreg:$0x0] =	wrdreg $0xFFFFFFFF;
	(pc) =	sbr.abs _section_cstart, $3  }
0xbf: {  	[dreg:$0x1] =	wrdreg $0xFFFFFFFF  }
0xc0: {  	_ =	task.clear_ibuf [dreg:s6], $0x2FFFF;
	_ =	strace $0x9FFFFFFF  }
0xc1: {  	(tm) =	ssettm $0x7FFFFFFF  }
tec
execute0_lowered:
.L_overlay_start_1:
0x0: {  	(tag) =	ssettag $0x1  }
0x1: {  	s1 =	srdreg.scid  }
0x2: {  	s0 =	stileid.u32;
	s3 =	rddreg [dreg:$0x0];
	s2 =	simm.s32 $0x0  }
0x3: {  	s9 =	simm.s32 $0x400;
	s4 =	sand.u32 $0x1, s1;
	s1 =	rddreg [dreg:$0x1]  }
0x4: {  	s5 =	sshll.u32 s0, $0x1;
	[smem:$0x7FF] =	sst s2;
	s7 =	sshll.u32 s0, $0xD  }
0x5: {  	s5 =	sor.u32 s4, s5;
	_ =	strace $0x80000047;
	s7 =	sand.u32 $0x18000, s7  }
0x6: {  	s4 =	ssub.s32 $0x2, s4;
	s6 =	sshll.u32 s5, $0xC;
	s5 =	sshll.u32 s5, $0x4  }
0x7: {  	s7 =	sadd.s32 s7, s3;
	s30 =	sshrl.u32 s4, $0x1;
	s6 =	sadd.s32 s6, s3  }
0x8: {  	s5 =	sand.u32 $0x70, s5;
	s8 =	ssub.s32 s4, s30;
	s3 =	sadd.s32 $0x600, s6  }
0x9: {  	s31 =	sadd.s32 s5, s7;
	s5 =	smax.u32 s8, $0x1;
	s6 =	simm.s32 $0x1  }
0xa: {  	v0 =	vimm.s32 $0x0;
	v1 =	vimm.s32 $0x1;
	s7 =	simm.s32 $0x8000;
	s8 =	simm.s32 $0x80;
	s4 =	sadd.s32 $0x20600, s31  }
.LBB2_1:
0xb: {  	s10 =	simm.s32 $0x40;
	s11 =	simm.s32 $0x0  }
.LBB2_2:
0xc: {  	p0 =	sne.s32 s10, $0x1FFC0;
	[tilespmem:s11+$0x8000] =	vst v0;
	s11 =	smov.u32 s10;
	s10 =	sadd.s32 $0x40, s10  }
.Ltmp0:
0xd: {  	(pc) =	sbr.rel @p0 .LBB2_2-.Ltmp0, $2  }
0xe: {  	_ =	sdelay $0x2  }
0xf: {  	s11 =	sshra.s32 s11, $0x2  }
0x10: {  	[tilespmem:s11+$0x8000] =	vst v0;
	s10 =	simm.s32 $0x0  }
0x11: {  	[tilespmem:s10], [sflag:$0x1] =	stream.linear.gather [hbm4b:s3+s10], $0x8000, $0x38;
	[tilespmem:$0x10000] =	vst v63  }
0x12: {  	_ =	swait.ge [sflag:s6], $0x8000  }
0x13: {  	[sflag:s6] =	ssyncset.done $0x0  }
0x14: {  	s11 =	simm.s32 $0x0;
	s10 =	simm.s32 $0x40;
	[sflag:s6] =	ssyncadd.s32 $0xFFFF8000  }
.LBB2_4:
0x15: {  	p0 =	sne.s32 s10, $0x1FFC0;
	v2 =	vld [tilespmem:s11+$0x0];
	_ =	sdelay $0x4  }
0x16: {  	v2 =	vshrl.u32 v2, $0x10  }
.Ltmp1:
0x17: {  	(pc) =	sbr.rel @p0 .LBB2_4-.Ltmp1, $2  }
0x18: {  	_ =	sdelay $0x2  }
0x19: {  	s11 =	sshra.s32 s10, $0x2;
	s10 =	sadd.s32 $0x40, s10;
	[tilespmem:v2+s7+$0x0] =	vst.idx.add.s32.msk $0xffff, v1  }
0x1a: {  	v2 =	vld [tilespmem:s11+$0x0];
	_ =	sdelay $0x4  }
0x1b: {  	v2 =	vshrl.u32 v2, $0x10;
	_ =	sdelay $0x2  }
0x1c: {  	s2 =	sadd.s32 $0x1, s2  }
0x1d: {  	p0 =	sne.s32 s2, s5  }
.Ltmp2:
0x1e: {  	[tilespmem:v2+s7+$0x0] =	vst.idx.add.s32.msk $0xffff, v1;
	(pc) =	sbr.rel @p0 .LBB2_1-.Ltmp2, $4  }
0x1f: {  	[hbm4b:s4+s8] =	stream.strided.scatter [tilespmem:s7], [sflag:$0x1], $0x8000, s9, s8, $0x38;
	[tilespmem:$0x10000] =	vst v63  }
0x20: {  	_ =	swait.ge [sflag:s6], $0x8000  }
0x21: {  	[sflag:s6] =	ssyncset.done $0x0  }
0x22: {  	[sflag:s6] =	ssyncadd.s32 $0xFFFF8000  }
0x23: {  	_ =	sfence.sel $0x180000  }
0x24: {  	[bflag:$0x0] =	sbarrier.arrive $0xFFFF  }
0x25: {  	p0 =	sne.s32 s0, $0x0;
	_ =	strace $0x90000047  }
0x26: {  	s0 =	sadd.s32 @!p0 $0x100000, s1;
	[bflag:$0x2] =	sbarrier.arrive $0xFFFF  }
0x27: {  	[sflag:s0] =	ssyncadd.tile.s32 @!p0 $0x1;
	_ =	shalt  }
.Lfunc_end2:
_tile_overlayer_lowered:
.L_overlay_start_2:
0x28: {  	(tag) =	ssettag $0x2  }
0x29: {  	s0 =	rddreg [dreg:$0x0];
	s2 =	stileid.u32  }
0x2a: {  	s1 =	rddreg [dreg:$0x1];
	p0 =	sne.s32 s2, $0x0  }
0x2b: {  	s3 =	rddreg [dreg:$0x2];
	[bflag:$0x3] =	sbarrier.arrive $0xFFFF;
	s2 =	simm.s32 @!p0 $0x1C01  }
0x2c: {  	[timem:s3], [sflag:s2] =	dma.local @!p0 [hbm:s0], s1  }
0x2d: {  	s0 =	simm.s32 @!p0 $0x1  }
0x2e: {  	_ =	swait.ge @!p0 [sflag:s0], s1  }
0x2f: {  	s1 =	ssub.s32 @!p0 $0x0, s1;
	[sflag:s0] =	ssyncset.done @!p0 $0x0  }
0x30: {  	[sflag:s0] =	ssyncadd.s32 @!p0 s1  }
0x31: {  	[bflag:$0x3] =	sbarrier.arrive $0xFFFF  }
0x32: {  	_ =	shalt  }

</sc_bundles>
